<compile_context>
chip_gen: v7x
topology: tpu7x:2x2x1
jax: 0.10.2.dev20260603
libtpu: 0.0.44.dev20260713+nightly
codegen_flags: <defaults>
</compile_context>

<pallas_src>
import functools
import math

import jax
import jax.numpy as jnp
from jax import lax
from jax.experimental import pallas as pl
from jax.experimental.pallas import tpu as pltpu
from jax.experimental.pallas import tpu_sc as plsc

N = 1024
E = 2048
M = 2048
IN_CH = 256
HC = 512
H = 8
D = HC // H
S = 8

_NC = 2
_NS = 16
_NW = _NC * _NS
_BPW = E // _NW


def _proj_body(q_ref, k_ref, v_ref, wq_ref, bq_ref, wk_ref, bk_ref,
               wv_ref, bv_ref, q2_ref, k2_ref, v2_ref):
    f32 = jnp.float32
    scale = math.sqrt(D) / D
    q2 = jnp.dot(q_ref[...], wq_ref[...], preferred_element_type=f32) + bq_ref[...]
    q2_ref[...] = (q2 * scale).astype(jnp.bfloat16)
    k2_ref[...] = jnp.dot(k_ref[...], wk_ref[...], preferred_element_type=f32) + bk_ref[...]
    v2_ref[...] = jnp.dot(v_ref[...], wv_ref[...], preferred_element_type=f32) + bv_ref[...]


def _proj(q, k, v, Wq, bq, Wk, bk, Wv, bv):
    out = jax.ShapeDtypeStruct((N, HC), jnp.float32)
    outb = jax.ShapeDtypeStruct((N, HC), jnp.bfloat16)
    return pl.pallas_call(_proj_body, out_shape=[outb, out, out])(
        q, k, v, Wq, bq, Wk, bk, Wv, bv)


def _sc_gather_body(k2_hbm, v2_hbm, env_hbm, bias_hbm, ai_hbm, em_hbm,
                    ke_out, ve_out, enve_out, biase_out,
                    ai_v, em_v, krows_v, vrows_v, env_v, bias_v, sem):
    wid = lax.axis_index("s") * _NC + lax.axis_index("c")
    base = wid * _BPW
    pltpu.sync_copy(ai_hbm.at[pl.ds(base, _BPW)], ai_v)
    pltpu.sync_copy(em_hbm.at[pl.ds(base, _BPW)], em_v)
    c1 = pltpu.async_copy(k2_hbm.at[ai_v], krows_v, sem)
    c2 = pltpu.async_copy(v2_hbm.at[ai_v], vrows_v, sem)
    c3 = pltpu.async_copy(env_hbm.at[em_v], env_v, sem)
    c4 = pltpu.async_copy(bias_hbm.at[em_v], bias_v, sem)
    c1.wait()
    c2.wait()
    c3.wait()
    c4.wait()
    pltpu.sync_copy(krows_v, ke_out.at[pl.ds(base, _BPW)])
    pltpu.sync_copy(vrows_v, ve_out.at[pl.ds(base, _BPW)])
    pltpu.sync_copy(env_v, enve_out.at[pl.ds(base, _BPW)])
    pltpu.sync_copy(bias_v, biase_out.at[pl.ds(base, _BPW)])


@functools.cache
def _sc_gather_call():
    mesh = plsc.VectorSubcoreMesh(core_axis_name="c", subcore_axis_name="s")
    return pl.kernel(
        _sc_gather_body,
        mesh=mesh,
        out_type=[
            jax.ShapeDtypeStruct((E, HC), jnp.float32),
            jax.ShapeDtypeStruct((E, HC), jnp.float32),
            jax.ShapeDtypeStruct((E,), jnp.float32),
            jax.ShapeDtypeStruct((E,), jnp.float32),
        ],
        scratch_types=[
            pltpu.VMEM((_BPW,), jnp.int32),
            pltpu.VMEM((_BPW,), jnp.int32),
            pltpu.VMEM((_BPW, HC), jnp.float32),
            pltpu.VMEM((_BPW, HC), jnp.float32),
            pltpu.VMEM((_BPW,), jnp.float32),
            pltpu.VMEM((_BPW,), jnp.float32),
            pltpu.SemaphoreType.DMA,
        ],
    )


def _sc_gather(k2, v2, envelope, bias_flat, ai, em):
    return _sc_gather_call()(k2, v2, envelope, bias_flat, ai, em)


def _mega_body(bi_ref, env_ref, bias_ref, envc_ref, q2_ref, ke_ref, ve_ref,
               lnw_ref, lnb_ref, wp_ref, bp_ref, out_ref, acc_ref):
    f32 = jnp.float32
    bf16 = jnp.bfloat16
    env = env_ref[...]
    oh = (bi_ref[...] == lax.broadcasted_iota(jnp.int32, (S, E), 0)).astype(f32)
    ohe = oh * env
    envc = envc_ref[...]
    ve2 = (ve_ref[...] * (envc * envc)).astype(bf16)
    keb = ke_ref[...].astype(bf16)
    bias = bias_ref[...]
    for j in range(H):
        sl = slice(j * D, (j + 1) * D)
        aw = lax.dot_general(q2_ref[:, sl], keb[:, sl], (((1,), (1,)), ((), ())),
                             preferred_element_type=f32)
        exq = jnp.exp(aw + bias)
        den_seg = lax.dot_general(exq, ohe, (((1,), (1,)), ((), ())),
                                  preferred_element_type=f32)
        rec = 1.0 / (den_seg + 1e-16)
        recg = jnp.dot(rec, oh, preferred_element_type=f32)
        attn = (exq * recg).astype(bf16)
        acc_ref[:, sl] = jnp.dot(attn, ve2[:, sl], preferred_element_type=f32)
    x = acc_ref[...]
    mu = jnp.mean(x, axis=1, keepdims=True)
    xc = x - mu
    var = jnp.mean(xc * xc, axis=1, keepdims=True)
    y = (xc * lax.rsqrt(var + 1e-07) * lnw_ref[...] + lnb_ref[...]).astype(bf16)
    out_ref[...] = jnp.dot(y, wp_ref[...].astype(bf16),
                           preferred_element_type=f32) + bp_ref[...]


def _mega(bi, env_e, bias_e, env_col, q2, ke, ve, ln_w, ln_b, Wp, bp):
    full = lambda *shape: pl.BlockSpec(shape, lambda: tuple(0 for _ in shape))
    return pl.pallas_call(
        _mega_body,
        in_specs=[
            full(1, E),
            full(1, E),
            full(1, E),
            full(E, 1),
            full(N, HC),
            full(E, HC),
            full(E, HC),
            full(1, HC),
            full(1, HC),
            full(HC, IN_CH),
            full(1, IN_CH),
        ],
        out_specs=full(N, IN_CH),
        out_shape=jax.ShapeDtypeStruct((N, IN_CH), jnp.float32),
        scratch_shapes=[pltpu.VMEM((N, HC), jnp.float32)],
    )(bi, env_e, bias_e, env_col, q2, ke, ve, ln_w, ln_b, Wp, bp)


def kernel(q, k, v, envelope, attn_bias, atom_index, batch_index, edge_map_tab,
           Wq, bq, Wk, bk, Wv, bv, ln_w, ln_b, Wp, bp):
    ai = atom_index.astype(jnp.int32)
    em = edge_map_tab.astype(jnp.int32)
    bi = batch_index.astype(jnp.int32).reshape(1, E)
    q2, k2, v2 = _proj(q, k, v, Wq, bq.reshape(1, HC), Wk, bk.reshape(1, HC),
                       Wv, bv.reshape(1, HC))
    ke, ve, env_e, bias_e = _sc_gather(k2, v2, envelope,
                                       attn_bias.reshape(M), ai, em)
    return _mega(bi, env_e.reshape(1, E), bias_e.reshape(1, E),
                 env_e.reshape(E, 1), q2, ke, ve,
                 ln_w.reshape(1, HC), ln_b.reshape(1, HC),
                 Wp, bp.reshape(1, IN_CH))

# --- scband reference (transcript-rebuilt; emitter-appended) ---
"""Pipeline reference for scband-inv-attention-11948599018112 (READ-ONLY COPY).

The authoritative reference and input builder live on the scoring server;
editing this copy changes nothing except your own understanding.
"""

import jax, jax.numpy as jnp
import numpy as np
import math

N = 1024
E = 2048
M = 2048
IN_CH = 256
HC = 512
H = 8
D = HC // H
S = 8


def setup_inputs():
    ks = jax.random.split(jax.random.key(0), 16)
    inp = {}
    inp['q'] = jax.random.normal(ks[0], (N, IN_CH), dtype=jnp.float32)
    inp['k'] = jax.random.normal(ks[1], (N, IN_CH), dtype=jnp.float32)
    inp['v'] = jax.random.normal(ks[2], (N, IN_CH), dtype=jnp.float32)
    inp['envelope'] = jax.random.uniform(ks[3], (M,), dtype=jnp.float32)
    inp['attn_bias'] = jax.random.normal(ks[4], (1, M), dtype=jnp.float32) * 0.1
    inp['atom_index'] = jax.random.randint(ks[5], (E,), 0, N)
    inp['batch_index'] = jnp.sort(jax.random.randint(ks[6], (E,), 0, S))
    inp['edge_map_tab'] = jax.random.randint(ks[7], (E,), 0, M)
    sc = 1.0 / math.sqrt(IN_CH)
    inp['Wq'] = jax.random.normal(ks[8], (IN_CH, HC), dtype=jnp.float32) * sc
    inp['bq'] = jnp.zeros((HC,), dtype=jnp.float32)
    inp['Wk'] = jax.random.normal(ks[9], (IN_CH, HC), dtype=jnp.float32) * sc
    inp['bk'] = jnp.zeros((HC,), dtype=jnp.float32)
    inp['Wv'] = jax.random.normal(ks[10], (IN_CH, HC), dtype=jnp.float32) * sc
    inp['bv'] = jnp.zeros((HC,), dtype=jnp.float32)
    inp['ln_w'] = jnp.ones((HC,), dtype=jnp.float32)
    inp['ln_b'] = jnp.zeros((HC,), dtype=jnp.float32)
    inp['Wp'] = jax.random.normal(ks[11], (HC, IN_CH), dtype=jnp.float32) / math.sqrt(HC)
    inp['bp'] = jnp.zeros((IN_CH,), dtype=jnp.float32)
    return inp


def _forward(q, k, v, envelope, attn_bias, Wq, bq, Wk, bk, Wv, bv, ln_w, ln_b, Wp, bp, atom_index, batch_index, edge_map_tab):
    n = q.shape[0]
    q2 = q @ Wq + bq
    k2 = k @ Wk + bk
    v2 = v @ Wv + bv
    k_e = jnp.take(k2, atom_index, axis=0)
    v_e = jnp.take(v2, atom_index, axis=0)
    qh = jnp.transpose(q2.reshape(n, H, D), (1, 0, 2))
    kh = jnp.transpose(k_e.reshape(-1, H, D), (1, 2, 0))
    vh = jnp.transpose(v_e.reshape(-1, H, D), (1, 0, 2))
    aw = jnp.matmul(qh * (math.sqrt(D) / D), kh)
    aw = aw + attn_bias[:, edge_map_tab]
    env_e = jnp.take(envelope, edge_map_tab, axis=0)
    awT = jnp.transpose(aw, (2, 0, 1))
    seg_max = jax.ops.segment_max(awT, batch_index, num_segments=S)
    seg_max = jax.lax.stop_gradient(seg_max)
    recentered = awT - jnp.take(seg_max, batch_index, axis=0)
    ex = jnp.exp(recentered) * env_e[:, None, None]
    seg_sum = jax.ops.segment_sum(ex, batch_index, num_segments=S)
    attn = ex / (jnp.take(seg_sum, batch_index, axis=0) + 1e-16)
    attn = attn * env_e[:, None, None]
    attn = jnp.transpose(attn, (1, 2, 0))
    out = jnp.matmul(attn, vh)
    out = jnp.transpose(out, (1, 0, 2)).reshape(n, HC)
    mu = out.mean(axis=-1, keepdims=True)
    var = out.var(axis=-1, keepdims=True)
    out = (out - mu) / jnp.sqrt(var + 1e-07) * ln_w + ln_b
    out = out @ Wp + bp
    return out


def reference(q, k, v, envelope, attn_bias, atom_index, batch_index, edge_map_tab, Wq, bq, Wk, bk, Wv, bv, ln_w, ln_b, Wp, bp):
    return _forward(q, k, v, envelope, attn_bias, Wq, bq, Wk, bk, Wv, bv, ln_w, ln_b, Wp, bp, atom_index, batch_index, edge_map_tab)

if __name__ == "__main__":
    import jax
    _d = setup_inputs()
    print(jax.jit(kernel)(*tuple(_d.values())))

</pallas_src>

<mosaic_0001>
#map = affine_map<(d0, d1) -> (0, 0)>
#map1 = affine_map<(d0, d1) -> (0)>
module attributes {stable_mosaic.version = 14 : i64} {
  func.func @_sc_gather_body(%arg0: i32, %arg1: i32, %arg2: memref<1024x512xf32, #tpu.memory_space<hbm>>, %arg3: memref<1024x512xf32, #tpu.memory_space<hbm>>, %arg4: memref<2048xf32, #tpu.memory_space<hbm>>, %arg5: memref<2048xf32, #tpu.memory_space<hbm>>, %arg6: memref<2048xi32, #tpu.memory_space<hbm>>, %arg7: memref<2048xi32, #tpu.memory_space<hbm>>, %arg8: memref<2048x512xf32, #tpu.memory_space<hbm>>, %arg9: memref<2048x512xf32, #tpu.memory_space<hbm>>, %arg10: memref<2048xf32, #tpu.memory_space<hbm>>, %arg11: memref<2048xf32, #tpu.memory_space<hbm>>, %arg12: memref<64xi32, #tpu.memory_space<vmem>>, %arg13: memref<64xi32, #tpu.memory_space<vmem>>, %arg14: memref<64x512xf32, #tpu.memory_space<vmem>>, %arg15: memref<64x512xf32, #tpu.memory_space<vmem>>, %arg16: memref<64xf32, #tpu.memory_space<vmem>>, %arg17: memref<64xf32, #tpu.memory_space<vmem>>, %arg18: memref<!tpu.dma_semaphore, #tpu.memory_space<semaphore_mem>>) attributes {dimension_semantics = [#tpu.dimension_semantics<core_parallel>, #tpu.dimension_semantics<subcore_parallel>], iteration_bounds = array<i64: 2, 16>, scalar_prefetch = 0 : i64, scratch_operands = 7 : i64, tpu.core_type = #tpu.core_type<sc_vector_subcore>, window_params = [{transform_indices = #map}, {transform_indices = #map}, {transform_indices = #map1}, {transform_indices = #map1}, {transform_indices = #map1}, {transform_indices = #map1}, {transform_indices = #map}, {transform_indices = #map}, {transform_indices = #map1}, {transform_indices = #map1}]} {
    %mul3A = arith.constant 2 : i32
    %mul3A_0 = arith.muli %arg1, %mul3A : i32
    %add3A = arith.addi %mul3A_0, %arg0 : i32
    %mul3A_1 = arith.constant 64 : i32
    %mul3A_2 = arith.muli %add3A, %mul3A_1 : i32
    "tpu.region"() ({
      %run_scoped3A = tpu.sem_alloc : memref<!tpu.dma_semaphore, #tpu.memory_space<semaphore_mem>>
      %dma_start3A_21 = tpu.memref_slice %arg6[%mul3A_2] : memref<2048xi32, #tpu.memory_space<hbm>> -> memref<64xi32, #tpu.memory_space<hbm>>
      %dma_start3A_22 = tpu.memref_slice %arg6[%mul3A_2] : memref<2048xi32, #tpu.memory_space<hbm>> -> memref<64xi32, #tpu.memory_space<hbm>>
      tpu.enqueue_dma source(%dma_start3A_22 : memref<64xi32, #tpu.memory_space<hbm>>) target(%arg12 : memref<64xi32, #tpu.memory_space<vmem>>) target_semaphore(%run_scoped3A : memref<!tpu.dma_semaphore, #tpu.memory_space<semaphore_mem>>)
      %dma_wait3A_23 = tpu.memref_slice %arg6[%mul3A_2] : memref<2048xi32, #tpu.memory_space<hbm>> -> memref<64xi32, #tpu.memory_space<hbm>>
      %dma_wait3A_24 = tpu.memref_slice %arg6[%mul3A_2] : memref<2048xi32, #tpu.memory_space<hbm>> -> memref<64xi32, #tpu.memory_space<hbm>>
      tpu.wait_dma2 semaphore(%run_scoped3A : memref<!tpu.dma_semaphore, #tpu.memory_space<semaphore_mem>>) src(%dma_wait3A_24 : memref<64xi32, #tpu.memory_space<hbm>>) dst(%arg12 : memref<64xi32, #tpu.memory_space<vmem>>)
      tpu.yield
    }) : () -> ()
    "tpu.region"() ({
      %run_scoped3A = tpu.sem_alloc : memref<!tpu.dma_semaphore, #tpu.memory_space<semaphore_mem>>
      %dma_start3A_21 = tpu.memref_slice %arg7[%mul3A_2] : memref<2048xi32, #tpu.memory_space<hbm>> -> memref<64xi32, #tpu.memory_space<hbm>>
      %dma_start3A_22 = tpu.memref_slice %arg7[%mul3A_2] : memref<2048xi32, #tpu.memory_space<hbm>> -> memref<64xi32, #tpu.memory_space<hbm>>
      tpu.enqueue_dma source(%dma_start3A_22 : memref<64xi32, #tpu.memory_space<hbm>>) target(%arg13 : memref<64xi32, #tpu.memory_space<vmem>>) target_semaphore(%run_scoped3A : memref<!tpu.dma_semaphore, #tpu.memory_space<semaphore_mem>>)
      %dma_wait3A_23 = tpu.memref_slice %arg7[%mul3A_2] : memref<2048xi32, #tpu.memory_space<hbm>> -> memref<64xi32, #tpu.memory_space<hbm>>
      %dma_wait3A_24 = tpu.memref_slice %arg7[%mul3A_2] : memref<2048xi32, #tpu.memory_space<hbm>> -> memref<64xi32, #tpu.memory_space<hbm>>
      tpu.wait_dma2 semaphore(%run_scoped3A : memref<!tpu.dma_semaphore, #tpu.memory_space<semaphore_mem>>) src(%dma_wait3A_24 : memref<64xi32, #tpu.memory_space<hbm>>) dst(%arg13 : memref<64xi32, #tpu.memory_space<vmem>>)
      tpu.yield
    }) : () -> ()
    %dma_start3A = arith.constant 0 : i32
    %dma_start3A_3 = arith.constant 0 : i32
    %dma_start3A_4 = tpu.memref_slice %arg2[%dma_start3A, %dma_start3A_3] : memref<1024x512xf32, #tpu.memory_space<hbm>> -> memref<1024x512xf32, #tpu.memory_space<hbm>>
    tpu.enqueue_indirect_dma source(%dma_start3A_4 : memref<1024x512xf32, #tpu.memory_space<hbm>>) target(%arg14 : memref<64x512xf32, #tpu.memory_space<vmem>>) offsets(%arg12 : memref<64xi32, #tpu.memory_space<vmem>>) semaphore(%arg18 : memref<!tpu.dma_semaphore, #tpu.memory_space<semaphore_mem>>)
    %dma_start3A_5 = arith.constant 0 : i32
    %dma_start3A_6 = arith.constant 0 : i32
    %dma_start3A_7 = tpu.memref_slice %arg3[%dma_start3A_5, %dma_start3A_6] : memref<1024x512xf32, #tpu.memory_space<hbm>> -> memref<1024x512xf32, #tpu.memory_space<hbm>>
    tpu.enqueue_indirect_dma source(%dma_start3A_7 : memref<1024x512xf32, #tpu.memory_space<hbm>>) target(%arg15 : memref<64x512xf32, #tpu.memory_space<vmem>>) offsets(%arg12 : memref<64xi32, #tpu.memory_space<vmem>>) semaphore(%arg18 : memref<!tpu.dma_semaphore, #tpu.memory_space<semaphore_mem>>)
    %dma_start3A_8 = arith.constant 0 : i32
    %dma_start3A_9 = tpu.memref_slice %arg4[%dma_start3A_8] : memref<2048xf32, #tpu.memory_space<hbm>> -> memref<2048xf32, #tpu.memory_space<hbm>>
    tpu.enqueue_indirect_dma source(%dma_start3A_9 : memref<2048xf32, #tpu.memory_space<hbm>>) target(%arg16 : memref<64xf32, #tpu.memory_space<vmem>>) offsets(%arg13 : memref<64xi32, #tpu.memory_space<vmem>>) semaphore(%arg18 : memref<!tpu.dma_semaphore, #tpu.memory_space<semaphore_mem>>)
    %dma_start3A_10 = arith.constant 0 : i32
    %dma_start3A_11 = tpu.memref_slice %arg5[%dma_start3A_10] : memref<2048xf32, #tpu.memory_space<hbm>> -> memref<2048xf32, #tpu.memory_space<hbm>>
    tpu.enqueue_indirect_dma source(%dma_start3A_11 : memref<2048xf32, #tpu.memory_space<hbm>>) target(%arg17 : memref<64xf32, #tpu.memory_space<vmem>>) offsets(%arg13 : memref<64xi32, #tpu.memory_space<vmem>>) semaphore(%arg18 : memref<!tpu.dma_semaphore, #tpu.memory_space<semaphore_mem>>)
    %dma_wait3A = arith.constant 0 : i32
    %dma_wait3A_12 = arith.constant 0 : i32
    %dma_wait3A_13 = tpu.memref_slice %arg2[%dma_wait3A, %dma_wait3A_12] : memref<1024x512xf32, #tpu.memory_space<hbm>> -> memref<1024x512xf32, #tpu.memory_space<hbm>>
    tpu.wait_indirect_dma semaphore(%arg18 : memref<!tpu.dma_semaphore, #tpu.memory_space<semaphore_mem>>) src(%dma_wait3A_13 : memref<1024x512xf32, #tpu.memory_space<hbm>>) dst(%arg14 : memref<64x512xf32, #tpu.memory_space<vmem>>)
    %dma_wait3A_14 = arith.constant 0 : i32
    %dma_wait3A_15 = arith.constant 0 : i32
    %dma_wait3A_16 = tpu.memref_slice %arg3[%dma_wait3A_14, %dma_wait3A_15] : memref<1024x512xf32, #tpu.memory_space<hbm>> -> memref<1024x512xf32, #tpu.memory_space<hbm>>
    tpu.wait_indirect_dma semaphore(%arg18 : memref<!tpu.dma_semaphore, #tpu.memory_space<semaphore_mem>>) src(%dma_wait3A_16 : memref<1024x512xf32, #tpu.memory_space<hbm>>) dst(%arg15 : memref<64x512xf32, #tpu.memory_space<vmem>>)
    %dma_wait3A_17 = arith.constant 0 : i32
    %dma_wait3A_18 = tpu.memref_slice %arg4[%dma_wait3A_17] : memref<2048xf32, #tpu.memory_space<hbm>> -> memref<2048xf32, #tpu.memory_space<hbm>>
    tpu.wait_indirect_dma semaphore(%arg18 : memref<!tpu.dma_semaphore, #tpu.memory_space<semaphore_mem>>) src(%dma_wait3A_18 : memref<2048xf32, #tpu.memory_space<hbm>>) dst(%arg16 : memref<64xf32, #tpu.memory_space<vmem>>)
    %dma_wait3A_19 = arith.constant 0 : i32
    %dma_wait3A_20 = tpu.memref_slice %arg5[%dma_wait3A_19] : memref<2048xf32, #tpu.memory_space<hbm>> -> memref<2048xf32, #tpu.memory_space<hbm>>
    tpu.wait_indirect_dma semaphore(%arg18 : memref<!tpu.dma_semaphore, #tpu.memory_space<semaphore_mem>>) src(%dma_wait3A_20 : memref<2048xf32, #tpu.memory_space<hbm>>) dst(%arg17 : memref<64xf32, #tpu.memory_space<vmem>>)
    "tpu.region"() ({
      %run_scoped3A = tpu.sem_alloc : memref<!tpu.dma_semaphore, #tpu.memory_space<semaphore_mem>>
      %dma_start3A_21 = arith.constant 0 : i32
      %dma_start3A_22 = tpu.memref_slice %arg8[%mul3A_2, %dma_start3A_21] : memref<2048x512xf32, #tpu.memory_space<hbm>> -> memref<64x512xf32, #tpu.memory_space<hbm>>
      %dma_start3A_23 = arith.constant 0 : i32
      %dma_start3A_24 = tpu.memref_slice %arg8[%mul3A_2, %dma_start3A_23] : memref<2048x512xf32, #tpu.memory_space<hbm>> -> memref<64x512xf32, #tpu.memory_space<hbm>>
      tpu.enqueue_dma source(%arg14 : memref<64x512xf32, #tpu.memory_space<vmem>>) target(%dma_start3A_24 : memref<64x512xf32, #tpu.memory_space<hbm>>) target_semaphore(%run_scoped3A : memref<!tpu.dma_semaphore, #tpu.memory_space<semaphore_mem>>)
      %dma_wait3A_25 = arith.constant 0 : i32
      %dma_wait3A_26 = tpu.memref_slice %arg8[%mul3A_2, %dma_wait3A_25] : memref<2048x512xf32, #tpu.memory_space<hbm>> -> memref<64x512xf32, #tpu.memory_space<hbm>>
      %dma_wait3A_27 = arith.constant 0 : i32
      %dma_wait3A_28 = tpu.memref_slice %arg8[%mul3A_2, %dma_wait3A_27] : memref<2048x512xf32, #tpu.memory_space<hbm>> -> memref<64x512xf32, #tpu.memory_space<hbm>>
      tpu.wait_dma2 semaphore(%run_scoped3A : memref<!tpu.dma_semaphore, #tpu.memory_space<semaphore_mem>>) src(%arg14 : memref<64x512xf32, #tpu.memory_space<vmem>>) dst(%dma_wait3A_28 : memref<64x512xf32, #tpu.memory_space<hbm>>)
      tpu.yield
    }) : () -> ()
    "tpu.region"() ({
      %run_scoped3A = tpu.sem_alloc : memref<!tpu.dma_semaphore, #tpu.memory_space<semaphore_mem>>
      %dma_start3A_21 = arith.constant 0 : i32
      %dma_start3A_22 = tpu.memref_slice %arg9[%mul3A_2, %dma_start3A_21] : memref<2048x512xf32, #tpu.memory_space<hbm>> -> memref<64x512xf32, #tpu.memory_space<hbm>>
      %dma_start3A_23 = arith.constant 0 : i32
      %dma_start3A_24 = tpu.memref_slice %arg9[%mul3A_2, %dma_start3A_23] : memref<2048x512xf32, #tpu.memory_space<hbm>> -> memref<64x512xf32, #tpu.memory_space<hbm>>
      tpu.enqueue_dma source(%arg15 : memref<64x512xf32, #tpu.memory_space<vmem>>) target(%dma_start3A_24 : memref<64x512xf32, #tpu.memory_space<hbm>>) target_semaphore(%run_scoped3A : memref<!tpu.dma_semaphore, #tpu.memory_space<semaphore_mem>>)
      %dma_wait3A_25 = arith.constant 0 : i32
      %dma_wait3A_26 = tpu.memref_slice %arg9[%mul3A_2, %dma_wait3A_25] : memref<2048x512xf32, #tpu.memory_space<hbm>> -> memref<64x512xf32, #tpu.memory_space<hbm>>
      %dma_wait3A_27 = arith.constant 0 : i32
      %dma_wait3A_28 = tpu.memref_slice %arg9[%mul3A_2, %dma_wait3A_27] : memref<2048x512xf32, #tpu.memory_space<hbm>> -> memref<64x512xf32, #tpu.memory_space<hbm>>
      tpu.wait_dma2 semaphore(%run_scoped3A : memref<!tpu.dma_semaphore, #tpu.memory_space<semaphore_mem>>) src(%arg15 : memref<64x512xf32, #tpu.memory_space<vmem>>) dst(%dma_wait3A_28 : memref<64x512xf32, #tpu.memory_space<hbm>>)
      tpu.yield
    }) : () -> ()
    "tpu.region"() ({
      %run_scoped3A = tpu.sem_alloc : memref<!tpu.dma_semaphore, #tpu.memory_space<semaphore_mem>>
      %dma_start3A_21 = tpu.memref_slice %arg10[%mul3A_2] : memref<2048xf32, #tpu.memory_space<hbm>> -> memref<64xf32, #tpu.memory_space<hbm>>
      %dma_start3A_22 = tpu.memref_slice %arg10[%mul3A_2] : memref<2048xf32, #tpu.memory_space<hbm>> -> memref<64xf32, #tpu.memory_space<hbm>>
      tpu.enqueue_dma source(%arg16 : memref<64xf32, #tpu.memory_space<vmem>>) target(%dma_start3A_22 : memref<64xf32, #tpu.memory_space<hbm>>) target_semaphore(%run_scoped3A : memref<!tpu.dma_semaphore, #tpu.memory_space<semaphore_mem>>)
      %dma_wait3A_23 = tpu.memref_slice %arg10[%mul3A_2] : memref<2048xf32, #tpu.memory_space<hbm>> -> memref<64xf32, #tpu.memory_space<hbm>>
      %dma_wait3A_24 = tpu.memref_slice %arg10[%mul3A_2] : memref<2048xf32, #tpu.memory_space<hbm>> -> memref<64xf32, #tpu.memory_space<hbm>>
      tpu.wait_dma2 semaphore(%run_scoped3A : memref<!tpu.dma_semaphore, #tpu.memory_space<semaphore_mem>>) src(%arg16 : memref<64xf32, #tpu.memory_space<vmem>>) dst(%dma_wait3A_24 : memref<64xf32, #tpu.memory_space<hbm>>)
      tpu.yield
    }) : () -> ()
    "tpu.region"() ({
      %run_scoped3A = tpu.sem_alloc : memref<!tpu.dma_semaphore, #tpu.memory_space<semaphore_mem>>
      %dma_start3A_21 = tpu.memref_slice %arg11[%mul3A_2] : memref<2048xf32, #tpu.memory_space<hbm>> -> memref<64xf32, #tpu.memory_space<hbm>>
      %dma_start3A_22 = tpu.memref_slice %arg11[%mul3A_2] : memref<2048xf32, #tpu.memory_space<hbm>> -> memref<64xf32, #tpu.memory_space<hbm>>
      tpu.enqueue_dma source(%arg17 : memref<64xf32, #tpu.memory_space<vmem>>) target(%dma_start3A_22 : memref<64xf32, #tpu.memory_space<hbm>>) target_semaphore(%run_scoped3A : memref<!tpu.dma_semaphore, #tpu.memory_space<semaphore_mem>>)
      %dma_wait3A_23 = tpu.memref_slice %arg11[%mul3A_2] : memref<2048xf32, #tpu.memory_space<hbm>> -> memref<64xf32, #tpu.memory_space<hbm>>
      %dma_wait3A_24 = tpu.memref_slice %arg11[%mul3A_2] : memref<2048xf32, #tpu.memory_space<hbm>> -> memref<64xf32, #tpu.memory_space<hbm>>
      tpu.wait_dma2 semaphore(%run_scoped3A : memref<!tpu.dma_semaphore, #tpu.memory_space<semaphore_mem>>) src(%arg17 : memref<64xf32, #tpu.memory_space<vmem>>) dst(%dma_wait3A_24 : memref<64xf32, #tpu.memory_space<hbm>>)
      tpu.yield
    }) : () -> ()
    return
  }
}

module attributes {stable_mosaic.version = 14 : i64} {
  func.func @_proj_body(%arg0: memref<1024x256xf32, #tpu.memory_space<vmem>>, %arg1: memref<1024x256xf32, #tpu.memory_space<vmem>>, %arg2: memref<1024x256xf32, #tpu.memory_space<vmem>>, %arg3: memref<256x512xf32, #tpu.memory_space<vmem>>, %arg4: memref<1x512xf32, #tpu.memory_space<vmem>>, %arg5: memref<256x512xf32, #tpu.memory_space<vmem>>, %arg6: memref<1x512xf32, #tpu.memory_space<vmem>>, %arg7: memref<256x512xf32, #tpu.memory_space<vmem>>, %arg8: memref<1x512xf32, #tpu.memory_space<vmem>>, %arg9: memref<1024x512xbf16, #tpu.memory_space<vmem>>, %arg10: memref<1024x512xf32, #tpu.memory_space<vmem>>, %arg11: memref<1024x512xf32, #tpu.memory_space<vmem>>) attributes {dimension_semantics = [], scalar_prefetch = 0 : i64, scratch_operands = 0 : i64, tpu.core_type = #tpu.core_type<tc>} {
    %get3A = arith.constant 0 : index
    %get3A_0 = arith.constant 0 : index
    %get3A_1 = vector.load %arg0[%get3A, %get3A_0] : memref<1024x256xf32, #tpu.memory_space<vmem>>, vector<1024x256xf32>
    %get3A_2 = arith.constant 0 : index
    %get3A_3 = arith.constant 0 : index
    %get3A_4 = vector.load %arg3[%get3A_2, %get3A_3] : memref<256x512xf32, #tpu.memory_space<vmem>>, vector<256x512xf32>
    %dot_general3A = arith.constant dense<0.000000e+00> : vector<1024x512xf32>
    %dot_general3A_5 = tpu.matmul %get3A_1, %get3A_4, %dot_general3A {dimension_numbers = #tpu.dot_dimension_numbers<[1], [0], [0], [1], [0, 0, 1, 1], [], []>, transpose_lhs_hint = false} : vector<1024x256xf32>, vector<256x512xf32>, vector<1024x512xf32> -> vector<1024x512xf32>
    %get3A_6 = arith.constant 0 : index
    %get3A_7 = arith.constant 0 : index
    %get3A_8 = vector.load %arg4[%get3A_6, %get3A_7] : memref<1x512xf32, #tpu.memory_space<vmem>>, vector<1x512xf32>
    %add3A = vector.broadcast %get3A_8 : vector<1x512xf32> to vector<1024x512xf32>
    %add3A_9 = arith.addf %dot_general3A_5, %add3A : vector<1024x512xf32>
    %mul3A = arith.constant 1.250000e-01 : f32
    %mul3A_10 = vector.broadcast %mul3A : f32 to vector<1024x512xf32>
    %mul3A_11 = arith.mulf %add3A_9, %mul3A_10 : vector<1024x512xf32>
    %convert_element_type3A = arith.truncf %mul3A_11 : vector<1024x512xf32> to vector<1024x512xbf16>
    %swap3A = arith.constant 0 : index
    %swap3A_12 = arith.constant 0 : index
    %swap3A_13 = vector.load %arg9[%swap3A, %swap3A_12] : memref<1024x512xbf16, #tpu.memory_space<vmem>>, vector<1024x512xbf16>
    tpu.vector_store %arg9[%swap3A, %swap3A_12], %convert_element_type3A {strides = array<i32>} : memref<1024x512xbf16, #tpu.memory_space<vmem>>, vector<1024x512xbf16>,
    %get3A_14 = arith.constant 0 : index
    %get3A_15 = arith.constant 0 : index
    %get3A_16 = vector.load %arg1[%get3A_14, %get3A_15] : memref<1024x256xf32, #tpu.memory_space<vmem>>, vector<1024x256xf32>
    %get3A_17 = arith.constant 0 : index
    %get3A_18 = arith.constant 0 : index
    %get3A_19 = vector.load %arg5[%get3A_17, %get3A_18] : memref<256x512xf32, #tpu.memory_space<vmem>>, vector<256x512xf32>
    %dot_general3A_20 = arith.constant dense<0.000000e+00> : vector<1024x512xf32>
    %dot_general3A_21 = tpu.matmul %get3A_16, %get3A_19, %dot_general3A_20 {dimension_numbers = #tpu.dot_dimension_numbers<[1], [0], [0], [1], [0, 0, 1, 1], [], []>, transpose_lhs_hint = false} : vector<1024x256xf32>, vector<256x512xf32>, vector<1024x512xf32> -> vector<1024x512xf32>
    %get3A_22 = arith.constant 0 : index
    %get3A_23 = arith.constant 0 : index
    %get3A_24 = vector.load %arg6[%get3A_22, %get3A_23] : memref<1x512xf32, #tpu.memory_space<vmem>>, vector<1x512xf32>
    %add3A_25 = vector.broadcast %get3A_24 : vector<1x512xf32> to vector<1024x512xf32>
    %add3A_26 = arith.addf %dot_general3A_21, %add3A_25 : vector<1024x512xf32>
    %swap3A_27 = arith.constant 0 : index
    %swap3A_28 = arith.constant 0 : index
    %swap3A_29 = vector.load %arg10[%swap3A_27, %swap3A_28] : memref<1024x512xf32, #tpu.memory_space<vmem>>, vector<1024x512xf32>
    tpu.vector_store %arg10[%swap3A_27, %swap3A_28], %add3A_26 {strides = array<i32>} : memref<1024x512xf32, #tpu.memory_space<vmem>>, vector<1024x512xf32>,
    %get3A_30 = arith.constant 0 : index
    %get3A_31 = arith.constant 0 : index
    %get3A_32 = vector.load %arg2[%get3A_30, %get3A_31] : memref<1024x256xf32, #tpu.memory_space<vmem>>, vector<1024x256xf32>
    %get3A_33 = arith.constant 0 : index
    %get3A_34 = arith.constant 0 : index
    %get3A_35 = vector.load %arg7[%get3A_33, %get3A_34] : memref<256x512xf32, #tpu.memory_space<vmem>>, vector<256x512xf32>
    %dot_general3A_36 = arith.constant dense<0.000000e+00> : vector<1024x512xf32>
    %dot_general3A_37 = tpu.matmul %get3A_32, %get3A_35, %dot_general3A_36 {dimension_numbers = #tpu.dot_dimension_numbers<[1], [0], [0], [1], [0, 0, 1, 1], [], []>, transpose_lhs_hint = false} : vector<1024x256xf32>, vector<256x512xf32>, vector<1024x512xf32> -> vector<1024x512xf32>
    %get3A_38 = arith.constant 0 : index
    %get3A_39 = arith.constant 0 : index
    %get3A_40 = vector.load %arg8[%get3A_38, %get3A_39] : memref<1x512xf32, #tpu.memory_space<vmem>>, vector<1x512xf32>
    %add3A_41 = vector.broadcast %get3A_40 : vector<1x512xf32> to vector<1024x512xf32>
    %add3A_42 = arith.addf %dot_general3A_37, %add3A_41 : vector<1024x512xf32>
    %swap3A_43 = arith.constant 0 : index
    %swap3A_44 = arith.constant 0 : index
    %swap3A_45 = vector.load %arg11[%swap3A_43, %swap3A_44] : memref<1024x512xf32, #tpu.memory_space<vmem>>, vector<1024x512xf32>
    tpu.vector_store %arg11[%swap3A_43, %swap3A_44], %add3A_42 {strides = array<i32>} : memref<1024x512xf32, #tpu.memory_space<vmem>>, vector<1024x512xf32>,
    return
  }
}

module attributes {stable_mosaic.version = 14 : i64} {
  func.func @_mega_body(%arg0: memref<1x2048xi32, #tpu.memory_space<vmem>>, %arg1: memref<1x2048xf32, #tpu.memory_space<vmem>>, %arg2: memref<1x2048xf32, #tpu.memory_space<vmem>>, %arg3: memref<2048x1xf32, #tpu.memory_space<vmem>>, %arg4: memref<1024x512xbf16, #tpu.memory_space<vmem>>, %arg5: memref<2048x512xf32, #tpu.memory_space<vmem>>, %arg6: memref<2048x512xf32, #tpu.memory_space<vmem>>, %arg7: memref<1x512xf32, #tpu.memory_space<vmem>>, %arg8: memref<1x512xf32, #tpu.memory_space<vmem>>, %arg9: memref<512x256xf32, #tpu.memory_space<vmem>>, %arg10: memref<1x256xf32, #tpu.memory_space<vmem>>, %arg11: memref<1024x256xf32, #tpu.memory_space<vmem>>, %arg12: memref<1024x512xf32, #tpu.memory_space<vmem>>) attributes {dimension_semantics = [], scalar_prefetch = 0 : i64, scratch_operands = 1 : i64, tpu.core_type = #tpu.core_type<tc>} {
    %get3A = arith.constant 0 : index
    %get3A_0 = arith.constant 0 : index
    %get3A_1 = vector.load %arg1[%get3A, %get3A_0] : memref<1x2048xf32, #tpu.memory_space<vmem>>, vector<1x2048xf32>
    %get3A_2 = arith.constant 0 : index
    %get3A_3 = arith.constant 0 : index
    %get3A_4 = vector.load %arg0[%get3A_2, %get3A_3] : memref<1x2048xi32, #tpu.memory_space<vmem>>, vector<1x2048xi32>
    %iota3A = tpu.iota {dimensions = array<i32: 0>} : vector<8x2048xi32>
    %eq3A = vector.broadcast %get3A_4 : vector<1x2048xi32> to vector<8x2048xi32>
    %eq3A_5 = arith.cmpi eq, %eq3A, %iota3A : vector<8x2048xi32>
    %convert_element_type3A = arith.extui %eq3A_5 : vector<8x2048xi1> to vector<8x2048xi32>
    %convert_element_type3A_6 = arith.sitofp %convert_element_type3A : vector<8x2048xi32> to vector<8x2048xf32>
    %mul3A = vector.broadcast %get3A_1 : vector<1x2048xf32> to vector<8x2048xf32>
    %mul3A_7 = arith.mulf %convert_element_type3A_6, %mul3A : vector<8x2048xf32>
    %get3A_8 = arith.constant 0 : index
    %get3A_9 = arith.constant 0 : index
    %get3A_10 = vector.load %arg3[%get3A_8, %get3A_9] : memref<2048x1xf32, #tpu.memory_space<vmem>>, vector<2048x1xf32>
    %get3A_11 = arith.constant 0 : index
    %get3A_12 = arith.constant 0 : index
    %get3A_13 = vector.load %arg6[%get3A_11, %get3A_12] : memref<2048x512xf32, #tpu.memory_space<vmem>>, vector<2048x512xf32>
    %mul3A_14 = arith.mulf %get3A_10, %get3A_10 : vector<2048x1xf32>
    %mul3A_15 = vector.broadcast %mul3A_14 : vector<2048x1xf32> to vector<2048x512xf32>
    %mul3A_16 = arith.mulf %get3A_13, %mul3A_15 : vector<2048x512xf32>
    %convert_element_type3A_17 = arith.truncf %mul3A_16 : vector<2048x512xf32> to vector<2048x512xbf16>
    %get3A_18 = arith.constant 0 : index
    %get3A_19 = arith.constant 0 : index
    %get3A_20 = vector.load %arg5[%get3A_18, %get3A_19] : memref<2048x512xf32, #tpu.memory_space<vmem>>, vector<2048x512xf32>
    %convert_element_type3A_21 = arith.truncf %get3A_20 : vector<2048x512xf32> to vector<2048x512xbf16>
    %get3A_22 = arith.constant 0 : index
    %get3A_23 = arith.constant 0 : index
    %get3A_24 = vector.load %arg2[%get3A_22, %get3A_23] : memref<1x2048xf32, #tpu.memory_space<vmem>>, vector<1x2048xf32>
    %get3A_25 = arith.constant 0 : index
    %get3A_26 = arith.constant 0 : index
    %get3A_27 = vector.load %arg4[%get3A_25, %get3A_26] : memref<1024x512xbf16, #tpu.memory_space<vmem>>, vector<1024x64xbf16>
    %slice3A = vector.extract_strided_slice %convert_element_type3A_21 {offsets = [0, 0], sizes = [2048, 64], strides = [1, 1]} : vector<2048x512xbf16> to vector<2048x64xbf16>
    %dot_general3A = arith.constant dense<0.000000e+00> : vector<1024x2048xf32>
    %dot_general3A_28 = tpu.matmul %get3A_27, %slice3A, %dot_general3A {dimension_numbers = #tpu.dot_dimension_numbers<[1], [1], [0], [0], [0, 0, 1, 0], [], []>, transpose_lhs_hint = false} : vector<1024x64xbf16>, vector<2048x64xbf16>, vector<1024x2048xf32> -> vector<1024x2048xf32>
    %add3A = vector.broadcast %get3A_24 : vector<1x2048xf32> to vector<1024x2048xf32>
    %add3A_29 = arith.addf %dot_general3A_28, %add3A : vector<1024x2048xf32>
    %exp3A = math.exp %add3A_29 : vector<1024x2048xf32>
    %dot_general3A_30 = arith.constant dense<0.000000e+00> : vector<1024x8xf32>
    %dot_general3A_31 = tpu.matmul %exp3A, %mul3A_7, %dot_general3A_30 {dimension_numbers = #tpu.dot_dimension_numbers<[1], [1], [0], [0], [0, 0, 1, 0], [], []>, transpose_lhs_hint = false} : vector<1024x2048xf32>, vector<8x2048xf32>, vector<1024x8xf32> -> vector<1024x8xf32>
    %add3A_32 = arith.constant 1.000000e-16 : f32
    %add3A_33 = vector.broadcast %add3A_32 : f32 to vector<1024x8xf32>
    %add3A_34 = arith.addf %dot_general3A_31, %add3A_33 : vector<1024x8xf32>
    %div3A = arith.constant 1.000000e+00 : f32
    %div3A_35 = vector.broadcast %div3A : f32 to vector<1024x8xf32>
    %div3A_36 = arith.divf %div3A_35, %add3A_34 : vector<1024x8xf32>
    %dot_general3A_37 = arith.constant dense<0.000000e+00> : vector<1024x2048xf32>
    %dot_general3A_38 = tpu.matmul %div3A_36, %convert_element_type3A_6, %dot_general3A_37 {dimension_numbers = #tpu.dot_dimension_numbers<[1], [0], [0], [1], [0, 0, 1, 1], [], []>, transpose_lhs_hint = false} : vector<1024x8xf32>, vector<8x2048xf32>, vector<1024x2048xf32> -> vector<1024x2048xf32>
    %mul3A_39 = arith.mulf %exp3A, %dot_general3A_38 : vector<1024x2048xf32>
    %convert_element_type3A_40 = arith.truncf %mul3A_39 : vector<1024x2048xf32> to vector<1024x2048xbf16>
    %slice3A_41 = vector.extract_strided_slice %convert_element_type3A_17 {offsets = [0, 0], sizes = [2048, 64], strides = [1, 1]} : vector<2048x512xbf16> to vector<2048x64xbf16>
    %dot_general3A_42 = arith.constant dense<0.000000e+00> : vector<1024x64xf32>
    %dot_general3A_43 = tpu.matmul %convert_element_type3A_40, %slice3A_41, %dot_general3A_42 {dimension_numbers = #tpu.dot_dimension_numbers<[1], [0], [0], [1], [0, 0, 1, 1], [], []>, transpose_lhs_hint = false} : vector<1024x2048xbf16>, vector<2048x64xbf16>, vector<1024x64xf32> -> vector<1024x64xf32>
    %swap3A = arith.constant 0 : index
    %swap3A_44 = arith.constant 0 : index
    %swap3A_45 = vector.load %arg12[%swap3A, %swap3A_44] : memref<1024x512xf32, #tpu.memory_space<vmem>>, vector<1024x64xf32>
    tpu.vector_store %arg12[%swap3A, %swap3A_44], %dot_general3A_43 {strides = array<i32>} : memref<1024x512xf32, #tpu.memory_space<vmem>>, vector<1024x64xf32>,
    %get3A_46 = arith.constant 0 : index
    %get3A_47 = arith.constant 64 : index
    %get3A_48 = vector.load %arg4[%get3A_46, %get3A_47] : memref<1024x512xbf16, #tpu.memory_space<vmem>>, vector<1024x64xbf16>
    %slice3A_49 = vector.extract_strided_slice %convert_element_type3A_21 {offsets = [0, 64], sizes = [2048, 64], strides = [1, 1]} : vector<2048x512xbf16> to vector<2048x64xbf16>
    %dot_general3A_50 = arith.constant dense<0.000000e+00> : vector<1024x2048xf32>
    %dot_general3A_51 = tpu.matmul %get3A_48, %slice3A_49, %dot_general3A_50 {dimension_numbers = #tpu.dot_dimension_numbers<[1], [1], [0], [0], [0, 0, 1, 0], [], []>, transpose_lhs_hint = false} : vector<1024x64xbf16>, vector<2048x64xbf16>, vector<1024x2048xf32> -> vector<1024x2048xf32>
    %add3A_52 = vector.broadcast %get3A_24 : vector<1x2048xf32> to vector<1024x2048xf32>
    %add3A_53 = arith.addf %dot_general3A_51, %add3A_52 : vector<1024x2048xf32>
    %exp3A_54 = math.exp %add3A_53 : vector<1024x2048xf32>
    %dot_general3A_55 = arith.constant dense<0.000000e+00> : vector<1024x8xf32>
    %dot_general3A_56 = tpu.matmul %exp3A_54, %mul3A_7, %dot_general3A_55 {dimension_numbers = #tpu.dot_dimension_numbers<[1], [1], [0], [0], [0, 0, 1, 0], [], []>, transpose_lhs_hint = false} : vector<1024x2048xf32>, vector<8x2048xf32>, vector<1024x8xf32> -> vector<1024x8xf32>
    %add3A_57 = arith.constant 1.000000e-16 : f32
    %add3A_58 = vector.broadcast %add3A_57 : f32 to vector<1024x8xf32>
    %add3A_59 = arith.addf %dot_general3A_56, %add3A_58 : vector<1024x8xf32>
    %div3A_60 = arith.constant 1.000000e+00 : f32
    %div3A_61 = vector.broadcast %div3A_60 : f32 to vector<1024x8xf32>
    %div3A_62 = arith.divf %div3A_61, %add3A_59 : vector<1024x8xf32>
    %dot_general3A_63 = arith.constant dense<0.000000e+00> : vector<1024x2048xf32>
    %dot_general3A_64 = tpu.matmul %div3A_62, %convert_element_type3A_6, %dot_general3A_63 {dimension_numbers = #tpu.dot_dimension_numbers<[1], [0], [0], [1], [0, 0, 1, 1], [], []>, transpose_lhs_hint = false} : vector<1024x8xf32>, vector<8x2048xf32>, vector<1024x2048xf32> -> vector<1024x2048xf32>
    %mul3A_65 = arith.mulf %exp3A_54, %dot_general3A_64 : vector<1024x2048xf32>
    %convert_element_type3A_66 = arith.truncf %mul3A_65 : vector<1024x2048xf32> to vector<1024x2048xbf16>
    %slice3A_67 = vector.extract_strided_slice %convert_element_type3A_17 {offsets = [0, 64], sizes = [2048, 64], strides = [1, 1]} : vector<2048x512xbf16> to vector<2048x64xbf16>
    %dot_general3A_68 = arith.constant dense<0.000000e+00> : vector<1024x64xf32>
    %dot_general3A_69 = tpu.matmul %convert_element_type3A_66, %slice3A_67, %dot_general3A_68 {dimension_numbers = #tpu.dot_dimension_numbers<[1], [0], [0], [1], [0, 0, 1, 1], [], []>, transpose_lhs_hint = false} : vector<1024x2048xbf16>, vector<2048x64xbf16>, vector<1024x64xf32> -> vector<1024x64xf32>
    %swap3A_70 = arith.constant 0 : index
    %swap3A_71 = arith.constant 64 : index
    %swap3A_72 = vector.load %arg12[%swap3A_70, %swap3A_71] : memref<1024x512xf32, #tpu.memory_space<vmem>>, vector<1024x64xf32>
    tpu.vector_store %arg12[%swap3A_70, %swap3A_71], %dot_general3A_69 {strides = array<i32>} : memref<1024x512xf32, #tpu.memory_space<vmem>>, vector<1024x64xf32>,
    %get3A_73 = arith.constant 0 : index
    %get3A_74 = arith.constant 128 : index
    %get3A_75 = vector.load %arg4[%get3A_73, %get3A_74] : memref<1024x512xbf16, #tpu.memory_space<vmem>>, vector<1024x64xbf16>
    %slice3A_76 = vector.extract_strided_slice %convert_element_type3A_21 {offsets = [0, 128], sizes = [2048, 64], strides = [1, 1]} : vector<2048x512xbf16> to vector<2048x64xbf16>
    %dot_general3A_77 = arith.constant dense<0.000000e+00> : vector<1024x2048xf32>
    %dot_general3A_78 = tpu.matmul %get3A_75, %slice3A_76, %dot_general3A_77 {dimension_numbers = #tpu.dot_dimension_numbers<[1], [1], [0], [0], [0, 0, 1, 0], [], []>, transpose_lhs_hint = false} : vector<1024x64xbf16>, vector<2048x64xbf16>, vector<1024x2048xf32> -> vector<1024x2048xf32>
    %add3A_79 = vector.broadcast %get3A_24 : vector<1x2048xf32> to vector<1024x2048xf32>
    %add3A_80 = arith.addf %dot_general3A_78, %add3A_79 : vector<1024x2048xf32>
    %exp3A_81 = math.exp %add3A_80 : vector<1024x2048xf32>
    %dot_general3A_82 = arith.constant dense<0.000000e+00> : vector<1024x8xf32>
    %dot_general3A_83 = tpu.matmul %exp3A_81, %mul3A_7, %dot_general3A_82 {dimension_numbers = #tpu.dot_dimension_numbers<[1], [1], [0], [0], [0, 0, 1, 0], [], []>, transpose_lhs_hint = false} : vector<1024x2048xf32>, vector<8x2048xf32>, vector<1024x8xf32> -> vector<1024x8xf32>
    %add3A_84 = arith.constant 1.000000e-16 : f32
    %add3A_85 = vector.broadcast %add3A_84 : f32 to vector<1024x8xf32>
    %add3A_86 = arith.addf %dot_general3A_83, %add3A_85 : vector<1024x8xf32>
    %div3A_87 = arith.constant 1.000000e+00 : f32
    %div3A_88 = vector.broadcast %div3A_87 : f32 to vector<1024x8xf32>
    %div3A_89 = arith.divf %div3A_88, %add3A_86 : vector<1024x8xf32>
    %dot_general3A_90 = arith.constant dense<0.000000e+00> : vector<1024x2048xf32>
    %dot_general3A_91 = tpu.matmul %div3A_89, %convert_element_type3A_6, %dot_general3A_90 {dimension_numbers = #tpu.dot_dimension_numbers<[1], [0], [0], [1], [0, 0, 1, 1], [], []>, transpose_lhs_hint = false} : vector<1024x8xf32>, vector<8x2048xf32>, vector<1024x2048xf32> -> vector<1024x2048xf32>
    %mul3A_92 = arith.mulf %exp3A_81, %dot_general3A_91 : vector<1024x2048xf32>
    %convert_element_type3A_93 = arith.truncf %mul3A_92 : vector<1024x2048xf32> to vector<1024x2048xbf16>
    %slice3A_94 = vector.extract_strided_slice %convert_element_type3A_17 {offsets = [0, 128], sizes = [2048, 64], strides = [1, 1]} : vector<2048x512xbf16> to vector<2048x64xbf16>
    %dot_general3A_95 = arith.constant dense<0.000000e+00> : vector<1024x64xf32>
    %dot_general3A_96 = tpu.matmul %convert_element_type3A_93, %slice3A_94, %dot_general3A_95 {dimension_numbers = #tpu.dot_dimension_numbers<[1], [0], [0], [1], [0, 0, 1, 1], [], []>, transpose_lhs_hint = false} : vector<1024x2048xbf16>, vector<2048x64xbf16>, vector<1024x64xf32> -> vector<1024x64xf32>
    %swap3A_97 = arith.constant 0 : index
    %swap3A_98 = arith.constant 128 : index
    %swap3A_99 = vector.load %arg12[%swap3A_97, %swap3A_98] : memref<1024x512xf32, #tpu.memory_space<vmem>>, vector<1024x64xf32>
    tpu.vector_store %arg12[%swap3A_97, %swap3A_98], %dot_general3A_96 {strides = array<i32>} : memref<1024x512xf32, #tpu.memory_space<vmem>>, vector<1024x64xf32>,
    %get3A_100 = arith.constant 0 : index
    %get3A_101 = arith.constant 192 : index
    %get3A_102 = vector.load %arg4[%get3A_100, %get3A_101] : memref<1024x512xbf16, #tpu.memory_space<vmem>>, vector<1024x64xbf16>
    %slice3A_103 = vector.extract_strided_slice %convert_element_type3A_21 {offsets = [0, 192], sizes = [2048, 64], strides = [1, 1]} : vector<2048x512xbf16> to vector<2048x64xbf16>
    %dot_general3A_104 = arith.constant dense<0.000000e+00> : vector<1024x2048xf32>
    %dot_general3A_105 = tpu.matmul %get3A_102, %slice3A_103, %dot_general3A_104 {dimension_numbers = #tpu.dot_dimension_numbers<[1], [1], [0], [0], [0, 0, 1, 0], [], []>, transpose_lhs_hint = false} : vector<1024x64xbf16>, vector<2048x64xbf16>, vector<1024x2048xf32> -> vector<1024x2048xf32>
    %add3A_106 = vector.broadcast %get3A_24 : vector<1x2048xf32> to vector<1024x2048xf32>
    %add3A_107 = arith.addf %dot_general3A_105, %add3A_106 : vector<1024x2048xf32>
    %exp3A_108 = math.exp %add3A_107 : vector<1024x2048xf32>
    %dot_general3A_109 = arith.constant dense<0.000000e+00> : vector<1024x8xf32>
    %dot_general3A_110 = tpu.matmul %exp3A_108, %mul3A_7, %dot_general3A_109 {dimension_numbers = #tpu.dot_dimension_numbers<[1], [1], [0], [0], [0, 0, 1, 0], [], []>, transpose_lhs_hint = false} : vector<1024x2048xf32>, vector<8x2048xf32>, vector<1024x8xf32> -> vector<1024x8xf32>
    %add3A_111 = arith.constant 1.000000e-16 : f32
    %add3A_112 = vector.broadcast %add3A_111 : f32 to vector<1024x8xf32>
    %add3A_113 = arith.addf %dot_general3A_110, %add3A_112 : vector<1024x8xf32>
    %div3A_114 = arith.constant 1.000000e+00 : f32
    %div3A_115 = vector.broadcast %div3A_114 : f32 to vector<1024x8xf32>
    %div3A_116 = arith.divf %div3A_115, %add3A_113 : vector<1024x8xf32>
    %dot_general3A_117 = arith.constant dense<0.000000e+00> : vector<1024x2048xf32>
    %dot_general3A_118 = tpu.matmul %div3A_116, %convert_element_type3A_6, %dot_general3A_117 {dimension_numbers = #tpu.dot_dimension_numbers<[1], [0], [0], [1], [0, 0, 1, 1], [], []>, transpose_lhs_hint = false} : vector<1024x8xf32>, vector<8x2048xf32>, vector<1024x2048xf32> -> vector<1024x2048xf32>
    %mul3A_119 = arith.mulf %exp3A_108, %dot_general3A_118 : vector<1024x2048xf32>
    %convert_element_type3A_120 = arith.truncf %mul3A_119 : vector<1024x2048xf32> to vector<1024x2048xbf16>
    %slice3A_121 = vector.extract_strided_slice %convert_element_type3A_17 {offsets = [0, 192], sizes = [2048, 64], strides = [1, 1]} : vector<2048x512xbf16> to vector<2048x64xbf16>
    %dot_general3A_122 = arith.constant dense<0.000000e+00> : vector<1024x64xf32>
    %dot_general3A_123 = tpu.matmul %convert_element_type3A_120, %slice3A_121, %dot_general3A_122 {dimension_numbers = #tpu.dot_dimension_numbers<[1], [0], [0], [1], [0, 0, 1, 1], [], []>, transpose_lhs_hint = false} : vector<1024x2048xbf16>, vector<2048x64xbf16>, vector<1024x64xf32> -> vector<1024x64xf32>
    %swap3A_124 = arith.constant 0 : index
    %swap3A_125 = arith.constant 192 : index
    %swap3A_126 = vector.load %arg12[%swap3A_124, %swap3A_125] : memref<1024x512xf32, #tpu.memory_space<vmem>>, vector<1024x64xf32>
    tpu.vector_store %arg12[%swap3A_124, %swap3A_125], %dot_general3A_123 {strides = array<i32>} : memref<1024x512xf32, #tpu.memory_space<vmem>>, vector<1024x64xf32>,
    %get3A_127 = arith.constant 0 : index
    %get3A_128 = arith.constant 256 : index
    %get3A_129 = vector.load %arg4[%get3A_127, %get3A_128] : memref<1024x512xbf16, #tpu.memory_space<vmem>>, vector<1024x64xbf16>
    %slice3A_130 = vector.extract_strided_slice %convert_element_type3A_21 {offsets = [0, 256], sizes = [2048, 64], strides = [1, 1]} : vector<2048x512xbf16> to vector<2048x64xbf16>
    %dot_general3A_131 = arith.constant dense<0.000000e+00> : vector<1024x2048xf32>
    %dot_general3A_132 = tpu.matmul %get3A_129, %slice3A_130, %dot_general3A_131 {dimension_numbers = #tpu.dot_dimension_numbers<[1], [1], [0], [0], [0, 0, 1, 0], [], []>, transpose_lhs_hint = false} : vector<1024x64xbf16>, vector<2048x64xbf16>, vector<1024x2048xf32> -> vector<1024x2048xf32>
    %add3A_133 = vector.broadcast %get3A_24 : vector<1x2048xf32> to vector<1024x2048xf32>
    %add3A_134 = arith.addf %dot_general3A_132, %add3A_133 : vector<1024x2048xf32>
    %exp3A_135 = math.exp %add3A_134 : vector<1024x2048xf32>
    %dot_general3A_136 = arith.constant dense<0.000000e+00> : vector<1024x8xf32>
    %dot_general3A_137 = tpu.matmul %exp3A_135, %mul3A_7, %dot_general3A_136 {dimension_numbers = #tpu.dot_dimension_numbers<[1], [1], [0], [0], [0, 0, 1, 0], [], []>, transpose_lhs_hint = false} : vector<1024x2048xf32>, vector<8x2048xf32>, vector<1024x8xf32> -> vector<1024x8xf32>
    %add3A_138 = arith.constant 1.000000e-16 : f32
    %add3A_139 = vector.broadcast %add3A_138 : f32 to vector<1024x8xf32>
    %add3A_140 = arith.addf %dot_general3A_137, %add3A_139 : vector<1024x8xf32>
    %div3A_141 = arith.constant 1.000000e+00 : f32
    %div3A_142 = vector.broadcast %div3A_141 : f32 to vector<1024x8xf32>
    %div3A_143 = arith.divf %div3A_142, %add3A_140 : vector<1024x8xf32>
    %dot_general3A_144 = arith.constant dense<0.000000e+00> : vector<1024x2048xf32>
    %dot_general3A_145 = tpu.matmul %div3A_143, %convert_element_type3A_6, %dot_general3A_144 {dimension_numbers = #tpu.dot_dimension_numbers<[1], [0], [0], [1], [0, 0, 1, 1], [], []>, transpose_lhs_hint = false} : vector<1024x8xf32>, vector<8x2048xf32>, vector<1024x2048xf32> -> vector<1024x2048xf32>
    %mul3A_146 = arith.mulf %exp3A_135, %dot_general3A_145 : vector<1024x2048xf32>
    %convert_element_type3A_147 = arith.truncf %mul3A_146 : vector<1024x2048xf32> to vector<1024x2048xbf16>
    %slice3A_148 = vector.extract_strided_slice %convert_element_type3A_17 {offsets = [0, 256], sizes = [2048, 64], strides = [1, 1]} : vector<2048x512xbf16> to vector<2048x64xbf16>
    %dot_general3A_149 = arith.constant dense<0.000000e+00> : vector<1024x64xf32>
    %dot_general3A_150 = tpu.matmul %convert_element_type3A_147, %slice3A_148, %dot_general3A_149 {dimension_numbers = #tpu.dot_dimension_numbers<[1], [0], [0], [1], [0, 0, 1, 1], [], []>, transpose_lhs_hint = false} : vector<1024x2048xbf16>, vector<2048x64xbf16>, vector<1024x64xf32> -> vector<1024x64xf32>
    %swap3A_151 = arith.constant 0 : index
    %swap3A_152 = arith.constant 256 : index
    %swap3A_153 = vector.load %arg12[%swap3A_151, %swap3A_152] : memref<1024x512xf32, #tpu.memory_space<vmem>>, vector<1024x64xf32>
    tpu.vector_store %arg12[%swap3A_151, %swap3A_152], %dot_general3A_150 {strides = array<i32>} : memref<1024x512xf32, #tpu.memory_space<vmem>>, vector<1024x64xf32>,
    %get3A_154 = arith.constant 0 : index
    %get3A_155 = arith.constant 320 : index
    %get3A_156 = vector.load %arg4[%get3A_154, %get3A_155] : memref<1024x512xbf16, #tpu.memory_space<vmem>>, vector<1024x64xbf16>
    %slice3A_157 = vector.extract_strided_slice %convert_element_type3A_21 {offsets = [0, 320], sizes = [2048, 64], strides = [1, 1]} : vector<2048x512xbf16> to vector<2048x64xbf16>
    %dot_general3A_158 = arith.constant dense<0.000000e+00> : vector<1024x2048xf32>
    %dot_general3A_159 = tpu.matmul %get3A_156, %slice3A_157, %dot_general3A_158 {dimension_numbers = #tpu.dot_dimension_numbers<[1], [1], [0], [0], [0, 0, 1, 0], [], []>, transpose_lhs_hint = false} : vector<1024x64xbf16>, vector<2048x64xbf16>, vector<1024x2048xf32> -> vector<1024x2048xf32>
    %add3A_160 = vector.broadcast %get3A_24 : vector<1x2048xf32> to vector<1024x2048xf32>
    %add3A_161 = arith.addf %dot_general3A_159, %add3A_160 : vector<1024x2048xf32>
    %exp3A_162 = math.exp %add3A_161 : vector<1024x2048xf32>
    %dot_general3A_163 = arith.constant dense<0.000000e+00> : vector<1024x8xf32>
    %dot_general3A_164 = tpu.matmul %exp3A_162, %mul3A_7, %dot_general3A_163 {dimension_numbers = #tpu.dot_dimension_numbers<[1], [1], [0], [0], [0, 0, 1, 0], [], []>, transpose_lhs_hint = false} : vector<1024x2048xf32>, vector<8x2048xf32>, vector<1024x8xf32> -> vector<1024x8xf32>
    %add3A_165 = arith.constant 1.000000e-16 : f32
    %add3A_166 = vector.broadcast %add3A_165 : f32 to vector<1024x8xf32>
    %add3A_167 = arith.addf %dot_general3A_164, %add3A_166 : vector<1024x8xf32>
    %div3A_168 = arith.constant 1.000000e+00 : f32
    %div3A_169 = vector.broadcast %div3A_168 : f32 to vector<1024x8xf32>
    %div3A_170 = arith.divf %div3A_169, %add3A_167 : vector<1024x8xf32>
    %dot_general3A_171 = arith.constant dense<0.000000e+00> : vector<1024x2048xf32>
    %dot_general3A_172 = tpu.matmul %div3A_170, %convert_element_type3A_6, %dot_general3A_171 {dimension_numbers = #tpu.dot_dimension_numbers<[1], [0], [0], [1], [0, 0, 1, 1], [], []>, transpose_lhs_hint = false} : vector<1024x8xf32>, vector<8x2048xf32>, vector<1024x2048xf32> -> vector<1024x2048xf32>
    %mul3A_173 = arith.mulf %exp3A_162, %dot_general3A_172 : vector<1024x2048xf32>
    %convert_element_type3A_174 = arith.truncf %mul3A_173 : vector<1024x2048xf32> to vector<1024x2048xbf16>
    %slice3A_175 = vector.extract_strided_slice %convert_element_type3A_17 {offsets = [0, 320], sizes = [2048, 64], strides = [1, 1]} : vector<2048x512xbf16> to vector<2048x64xbf16>
    %dot_general3A_176 = arith.constant dense<0.000000e+00> : vector<1024x64xf32>
    %dot_general3A_177 = tpu.matmul %convert_element_type3A_174, %slice3A_175, %dot_general3A_176 {dimension_numbers = #tpu.dot_dimension_numbers<[1], [0], [0], [1], [0, 0, 1, 1], [], []>, transpose_lhs_hint = false} : vector<1024x2048xbf16>, vector<2048x64xbf16>, vector<1024x64xf32> -> vector<1024x64xf32>
    %swap3A_178 = arith.constant 0 : index
    %swap3A_179 = arith.constant 320 : index
    %swap3A_180 = vector.load %arg12[%swap3A_178, %swap3A_179] : memref<1024x512xf32, #tpu.memory_space<vmem>>, vector<1024x64xf32>
    tpu.vector_store %arg12[%swap3A_178, %swap3A_179], %dot_general3A_177 {strides = array<i32>} : memref<1024x512xf32, #tpu.memory_space<vmem>>, vector<1024x64xf32>,
    %get3A_181 = arith.constant 0 : index
    %get3A_182 = arith.constant 384 : index
    %get3A_183 = vector.load %arg4[%get3A_181, %get3A_182] : memref<1024x512xbf16, #tpu.memory_space<vmem>>, vector<1024x64xbf16>
    %slice3A_184 = vector.extract_strided_slice %convert_element_type3A_21 {offsets = [0, 384], sizes = [2048, 64], strides = [1, 1]} : vector<2048x512xbf16> to vector<2048x64xbf16>
    %dot_general3A_185 = arith.constant dense<0.000000e+00> : vector<1024x2048xf32>
    %dot_general3A_186 = tpu.matmul %get3A_183, %slice3A_184, %dot_general3A_185 {dimension_numbers = #tpu.dot_dimension_numbers<[1], [1], [0], [0], [0, 0, 1, 0], [], []>, transpose_lhs_hint = false} : vector<1024x64xbf16>, vector<2048x64xbf16>, vector<1024x2048xf32> -> vector<1024x2048xf32>
    %add3A_187 = vector.broadcast %get3A_24 : vector<1x2048xf32> to vector<1024x2048xf32>
    %add3A_188 = arith.addf %dot_general3A_186, %add3A_187 : vector<1024x2048xf32>
    %exp3A_189 = math.exp %add3A_188 : vector<1024x2048xf32>
    %dot_general3A_190 = arith.constant dense<0.000000e+00> : vector<1024x8xf32>
    %dot_general3A_191 = tpu.matmul %exp3A_189, %mul3A_7, %dot_general3A_190 {dimension_numbers = #tpu.dot_dimension_numbers<[1], [1], [0], [0], [0, 0, 1, 0], [], []>, transpose_lhs_hint = false} : vector<1024x2048xf32>, vector<8x2048xf32>, vector<1024x8xf32> -> vector<1024x8xf32>
    %add3A_192 = arith.constant 1.000000e-16 : f32
    %add3A_193 = vector.broadcast %add3A_192 : f32 to vector<1024x8xf32>
    %add3A_194 = arith.addf %dot_general3A_191, %add3A_193 : vector<1024x8xf32>
    %div3A_195 = arith.constant 1.000000e+00 : f32
    %div3A_196 = vector.broadcast %div3A_195 : f32 to vector<1024x8xf32>
    %div3A_197 = arith.divf %div3A_196, %add3A_194 : vector<1024x8xf32>
    %dot_general3A_198 = arith.constant dense<0.000000e+00> : vector<1024x2048xf32>
    %dot_general3A_199 = tpu.matmul %div3A_197, %convert_element_type3A_6, %dot_general3A_198 {dimension_numbers = #tpu.dot_dimension_numbers<[1], [0], [0], [1], [0, 0, 1, 1], [], []>, transpose_lhs_hint = false} : vector<1024x8xf32>, vector<8x2048xf32>, vector<1024x2048xf32> -> vector<1024x2048xf32>
    %mul3A_200 = arith.mulf %exp3A_189, %dot_general3A_199 : vector<1024x2048xf32>
    %convert_element_type3A_201 = arith.truncf %mul3A_200 : vector<1024x2048xf32> to vector<1024x2048xbf16>
    %slice3A_202 = vector.extract_strided_slice %convert_element_type3A_17 {offsets = [0, 384], sizes = [2048, 64], strides = [1, 1]} : vector<2048x512xbf16> to vector<2048x64xbf16>
    %dot_general3A_203 = arith.constant dense<0.000000e+00> : vector<1024x64xf32>
    %dot_general3A_204 = tpu.matmul %convert_element_type3A_201, %slice3A_202, %dot_general3A_203 {dimension_numbers = #tpu.dot_dimension_numbers<[1], [0], [0], [1], [0, 0, 1, 1], [], []>, transpose_lhs_hint = false} : vector<1024x2048xbf16>, vector<2048x64xbf16>, vector<1024x64xf32> -> vector<1024x64xf32>
    %swap3A_205 = arith.constant 0 : index
    %swap3A_206 = arith.constant 384 : index
    %swap3A_207 = vector.load %arg12[%swap3A_205, %swap3A_206] : memref<1024x512xf32, #tpu.memory_space<vmem>>, vector<1024x64xf32>
    tpu.vector_store %arg12[%swap3A_205, %swap3A_206], %dot_general3A_204 {strides = array<i32>} : memref<1024x512xf32, #tpu.memory_space<vmem>>, vector<1024x64xf32>,
    %get3A_208 = arith.constant 0 : index
    %get3A_209 = arith.constant 448 : index
    %get3A_210 = vector.load %arg4[%get3A_208, %get3A_209] : memref<1024x512xbf16, #tpu.memory_space<vmem>>, vector<1024x64xbf16>
    %slice3A_211 = vector.extract_strided_slice %convert_element_type3A_21 {offsets = [0, 448], sizes = [2048, 64], strides = [1, 1]} : vector<2048x512xbf16> to vector<2048x64xbf16>
    %dot_general3A_212 = arith.constant dense<0.000000e+00> : vector<1024x2048xf32>
    %dot_general3A_213 = tpu.matmul %get3A_210, %slice3A_211, %dot_general3A_212 {dimension_numbers = #tpu.dot_dimension_numbers<[1], [1], [0], [0], [0, 0, 1, 0], [], []>, transpose_lhs_hint = false} : vector<1024x64xbf16>, vector<2048x64xbf16>, vector<1024x2048xf32> -> vector<1024x2048xf32>
    %add3A_214 = vector.broadcast %get3A_24 : vector<1x2048xf32> to vector<1024x2048xf32>
    %add3A_215 = arith.addf %dot_general3A_213, %add3A_214 : vector<1024x2048xf32>
    %exp3A_216 = math.exp %add3A_215 : vector<1024x2048xf32>
    %dot_general3A_217 = arith.constant dense<0.000000e+00> : vector<1024x8xf32>
    %dot_general3A_218 = tpu.matmul %exp3A_216, %mul3A_7, %dot_general3A_217 {dimension_numbers = #tpu.dot_dimension_numbers<[1], [1], [0], [0], [0, 0, 1, 0], [], []>, transpose_lhs_hint = false} : vector<1024x2048xf32>, vector<8x2048xf32>, vector<1024x8xf32> -> vector<1024x8xf32>
    %add3A_219 = arith.constant 1.000000e-16 : f32
    %add3A_220 = vector.broadcast %add3A_219 : f32 to vector<1024x8xf32>
    %add3A_221 = arith.addf %dot_general3A_218, %add3A_220 : vector<1024x8xf32>
    %div3A_222 = arith.constant 1.000000e+00 : f32
    %div3A_223 = vector.broadcast %div3A_222 : f32 to vector<1024x8xf32>
    %div3A_224 = arith.divf %div3A_223, %add3A_221 : vector<1024x8xf32>
    %dot_general3A_225 = arith.constant dense<0.000000e+00> : vector<1024x2048xf32>
    %dot_general3A_226 = tpu.matmul %div3A_224, %convert_element_type3A_6, %dot_general3A_225 {dimension_numbers = #tpu.dot_dimension_numbers<[1], [0], [0], [1], [0, 0, 1, 1], [], []>, transpose_lhs_hint = false} : vector<1024x8xf32>, vector<8x2048xf32>, vector<1024x2048xf32> -> vector<1024x2048xf32>
    %mul3A_227 = arith.mulf %exp3A_216, %dot_general3A_226 : vector<1024x2048xf32>
    %convert_element_type3A_228 = arith.truncf %mul3A_227 : vector<1024x2048xf32> to vector<1024x2048xbf16>
    %slice3A_229 = vector.extract_strided_slice %convert_element_type3A_17 {offsets = [0, 448], sizes = [2048, 64], strides = [1, 1]} : vector<2048x512xbf16> to vector<2048x64xbf16>
    %dot_general3A_230 = arith.constant dense<0.000000e+00> : vector<1024x64xf32>
    %dot_general3A_231 = tpu.matmul %convert_element_type3A_228, %slice3A_229, %dot_general3A_230 {dimension_numbers = #tpu.dot_dimension_numbers<[1], [0], [0], [1], [0, 0, 1, 1], [], []>, transpose_lhs_hint = false} : vector<1024x2048xbf16>, vector<2048x64xbf16>, vector<1024x64xf32> -> vector<1024x64xf32>
    %swap3A_232 = arith.constant 0 : index
    %swap3A_233 = arith.constant 448 : index
    %swap3A_234 = vector.load %arg12[%swap3A_232, %swap3A_233] : memref<1024x512xf32, #tpu.memory_space<vmem>>, vector<1024x64xf32>
    tpu.vector_store %arg12[%swap3A_232, %swap3A_233], %dot_general3A_231 {strides = array<i32>} : memref<1024x512xf32, #tpu.memory_space<vmem>>, vector<1024x64xf32>,
    %get3A_235 = arith.constant 0 : index
    %get3A_236 = arith.constant 0 : index
    %get3A_237 = vector.load %arg12[%get3A_235, %get3A_236] : memref<1024x512xf32, #tpu.memory_space<vmem>>, vector<1024x512xf32>
    %reduce_sum3A = arith.constant dense<0.000000e+00> : vector<1024xf32>
    %reduce_sum3A_238 = vector.multi_reduction <add>, %get3A_237, %reduce_sum3A [1] : vector<1024x512xf32> to vector<1024xf32>
    %broadcast_in_dim3A = vector.shape_cast %reduce_sum3A_238 : vector<1024xf32> to vector<1024x1xf32>
    %div3A_239 = arith.constant 5.120000e+02 : f32
    %div3A_240 = vector.broadcast %div3A_239 : f32 to vector<1024x1xf32>
    %div3A_241 = arith.divf %broadcast_in_dim3A, %div3A_240 : vector<1024x1xf32>
    %sub3A = vector.broadcast %div3A_241 : vector<1024x1xf32> to vector<1024x512xf32>
    %sub3A_242 = arith.subf %get3A_237, %sub3A : vector<1024x512xf32>
    %mul3A_243 = arith.mulf %sub3A_242, %sub3A_242 : vector<1024x512xf32>
    %reduce_sum3A_244 = arith.constant dense<0.000000e+00> : vector<1024xf32>
    %reduce_sum3A_245 = vector.multi_reduction <add>, %mul3A_243, %reduce_sum3A_244 [1] : vector<1024x512xf32> to vector<1024xf32>
    %broadcast_in_dim3A_246 = vector.shape_cast %reduce_sum3A_245 : vector<1024xf32> to vector<1024x1xf32>
    %div3A_247 = arith.constant 5.120000e+02 : f32
    %div3A_248 = vector.broadcast %div3A_247 : f32 to vector<1024x1xf32>
    %div3A_249 = arith.divf %broadcast_in_dim3A_246, %div3A_248 : vector<1024x1xf32>
    %add3A_250 = arith.constant 1.000000e-07 : f32
    %add3A_251 = vector.broadcast %add3A_250 : f32 to vector<1024x1xf32>
    %add3A_252 = arith.addf %div3A_249, %add3A_251 : vector<1024x1xf32>
    %rsqrt3A = math.rsqrt %add3A_252 : vector<1024x1xf32>
    %mul3A_253 = vector.broadcast %rsqrt3A : vector<1024x1xf32> to vector<1024x512xf32>
    %mul3A_254 = arith.mulf %sub3A_242, %mul3A_253 : vector<1024x512xf32>
    %get3A_255 = arith.constant 0 : index
    %get3A_256 = arith.constant 0 : index
    %get3A_257 = vector.load %arg7[%get3A_255, %get3A_256] : memref<1x512xf32, #tpu.memory_space<vmem>>, vector<1x512xf32>
    %mul3A_258 = vector.broadcast %get3A_257 : vector<1x512xf32> to vector<1024x512xf32>
    %mul3A_259 = arith.mulf %mul3A_254, %mul3A_258 : vector<1024x512xf32>
    %get3A_260 = arith.constant 0 : index
    %get3A_261 = arith.constant 0 : index
    %get3A_262 = vector.load %arg8[%get3A_260, %get3A_261] : memref<1x512xf32, #tpu.memory_space<vmem>>, vector<1x512xf32>
    %add3A_263 = vector.broadcast %get3A_262 : vector<1x512xf32> to vector<1024x512xf32>
    %add3A_264 = arith.addf %mul3A_259, %add3A_263 : vector<1024x512xf32>
    %convert_element_type3A_265 = arith.truncf %add3A_264 : vector<1024x512xf32> to vector<1024x512xbf16>
    %get3A_266 = arith.constant 0 : index
    %get3A_267 = arith.constant 0 : index
    %get3A_268 = vector.load %arg9[%get3A_266, %get3A_267] : memref<512x256xf32, #tpu.memory_space<vmem>>, vector<512x256xf32>
    %convert_element_type3A_269 = arith.truncf %get3A_268 : vector<512x256xf32> to vector<512x256xbf16>
    %dot_general3A_270 = arith.constant dense<0.000000e+00> : vector<1024x256xf32>
    %dot_general3A_271 = tpu.matmul %convert_element_type3A_265, %convert_element_type3A_269, %dot_general3A_270 {dimension_numbers = #tpu.dot_dimension_numbers<[1], [0], [0], [1], [0, 0, 1, 1], [], []>, transpose_lhs_hint = false} : vector<1024x512xbf16>, vector<512x256xbf16>, vector<1024x256xf32> -> vector<1024x256xf32>
    %get3A_272 = arith.constant 0 : index
    %get3A_273 = arith.constant 0 : index
    %get3A_274 = vector.load %arg10[%get3A_272, %get3A_273] : memref<1x256xf32, #tpu.memory_space<vmem>>, vector<1x256xf32>
    %add3A_275 = vector.broadcast %get3A_274 : vector<1x256xf32> to vector<1024x256xf32>
    %add3A_276 = arith.addf %dot_general3A_271, %add3A_275 : vector<1024x256xf32>
    %swap3A_277 = arith.constant 0 : index
    %swap3A_278 = arith.constant 0 : index
    %swap3A_279 = vector.load %arg11[%swap3A_277, %swap3A_278] : memref<1024x256xf32, #tpu.memory_space<vmem>>, vector<1024x256xf32>
    tpu.vector_store %arg11[%swap3A_277, %swap3A_278], %add3A_276 {strides = array<i32>} : memref<1024x256xf32, #tpu.memory_space<vmem>>, vector<1024x256xf32>,
    return
  }
}

</mosaic_0001>

<sc_bundles>
// kernel: kernel.5.cloned.1.call-start
scs
__scs_entry_jumppad:
0x0: {  	(pc) =	sbr.rel $0x88, $3  }
0x1: {  	(tag) =	ssettag $0x0;
	lr =	simm.s32 $0x1  }
0x2: {  	[smem:$0x3F8F] =	sst lr;
	_ =	strace $0xD0000000  }
0x3: {  	_ = 	snop  }
0x4: {  	_ = 	snop  }
0x5: {  	_ = 	snop  }
0x6: {  	_ = 	snop  }
0x7: {  	_ = 	snop  }
__scs_overlays_trampoline_lowered:
0x8: {  	[smem:$0x3F9E] =	sst s0  }
0x9: {  	[smem:$0x3F9F] =	sst s1  }
0xa: {  	[smem:$0x3FA0] =	sst s2  }
0xb: {  	[smem:$0x3FA1] =	sst s3  }
0xc: {  	[smem:$0x3FA2] =	sst s4  }
0xd: {  	[smem:$0x3FA3] =	sst s5  }
0xe: {  	[smem:$0x3FA4] =	sst s6  }
0xf: {  	[smem:$0x3FA5] =	sst s7  }
0x10: {  	[smem:$0x3FA6] =	sst s8  }
0x11: {  	[smem:$0x3FA7] =	sst s9;
	s0 =	simm.s32 @!p0 $0x0  }
0x12: {  	s1 =	sld [smem:$0x3F8D];
	s0 =	simm.s32 @p0 $0x1  }
0x13: {  	[smem:$0x3FA8] =	sst s0;
	s0 =	simm.s32 @!p1 $0x0  }
0x14: {  	s2 =	sld [smem:$0x3F8C];
	s0 =	simm.s32 @p1 $0x1  }
0x15: {  	[smem:$0x3FA9] =	sst s0;
	s0 =	simm.s32 @!p2 $0x0  }
0x16: {  	s3 =	sld [smem:$0x3FDB];
	s0 =	simm.s32 @p2 $0x1  }
0x17: {  	s4 =	simm.s32 $0x1BF5;
	[smem:$0x3FAB] =	sst s0  }
0x18: {  	s0 =	sld [smem:$0x3F8E];
	_ =	swait.ge [sflag:s4], $0x0  }
0x19: {  	s7 =	sld [smem:$0x3F8F]  }
0x1a: {  	s8 =	sadd.s32 $0xFFFFE003, lr  }
0x1b: {  	s9 =	sadd.s32 $0xFFFFFEF7, lr;
	s5 =	simm.s32 $0xFFFFFFFF;
	p2 =	slt.u32 s8, $0xFFFFF086  }
0x1c: {  	p1 =	slt.u32 s9, $0xF7A;
	s5 =	simm.s32 @!p2 $0x0  }
0x1d: {  	s5 =	simm.s32 @p1 $0x1;
	p0 =	seq.s32 s7, s2  }
0x1e: {  	s7 =	smul.u32 @!p0 $0xF7A, s2;
	p2 =	seq.s32 @!p0 s5, $0x0  }
0x1f: {  	s9 =	smul.u32 $0xF7A, s1;
	s8 =	simm.s32 @!p0 $0x1BF5;
	p2 =	por !p2, p0  }
0x20: {  	[sflag:s8] =	ssyncset.s32 @!p0 $0xFFFFF086;
	s6 =	sadd.s32 @!p0 s3, s7;
	s7 =	simm.s32 @!p0 $0x108  }
0x21: {  	s3 =	sadd.s32 s3, s9;
	s6 =	sadd.s32 @!p0 $0x88, s6;
	s7 =	simm.s32 @p2 $0x1082  }
0x22: {  	[simem:s7], [sflag:s8] =	dma.local @!p0 [hbm:s6], $0xF7A  }
0x23: {  	s9 =	sor.u32 $0xD0000000, s2;
	s6 =	simm.s32 $0x108;
	_ =	swait.ge @!p0 [sflag:s8], $0x0  }
0x24: {  	s3 =	sadd.s32 $0x88, s3;
	s6 =	simm.s32 @!p1 $0x1082;
	[sflag:s4] =	ssyncset.s32 $0xFFFFF086  }
0x25: {  	[simem:s6], [sflag:s4] =	dma.local [hbm:s3], $0xF7A  }
0x26: {  	[smem:$0x3F8F] =	sst s1;
	(tag) =	ssettag s2;
	_ =	strace s9  }
0x27: {  	s1 =	sld [smem:$0x3F9F]  }
0x28: {  	s2 =	sld [smem:$0x3FA0]  }
0x29: {  	s4 =	sld [smem:$0x3FA2]  }
0x2a: {  	p0 =	seq.s32 s5, $0x0;
	s5 =	sld [smem:$0x3FA3]  }
0x2b: {  	s6 =	sld [smem:$0x3FA4]  }
0x2c: {  	s7 =	sld [smem:$0x3FA5]  }
0x2d: {  	s3 =	simm.s32 $0x108;
	s8 =	sld [smem:$0x3FA6]  }
0x2e: {  	s3 =	simm.s32 @!p0 $0x1082;
	s9 =	sld [smem:$0x3FA7]  }
0x2f: {  	lr =	sadd.s32 s0, s3;
	s0 =	sld [smem:$0x3F9E]  }
0x30: {  	s3 =	sld [smem:$0x3FA1]  }
0x31: {  	[smem:$0x3FAA] =	sst s10  }
0x32: {  	s10 =	sld [smem:$0x3FA8];
	_ =	sdelay $0x3  }
0x33: {  	p0 =	seq.s32 s10, $0x1;
	s10 =	sld [smem:$0x3FAA];
	_ =	sdelay $0x3  }
0x34: {  	[smem:$0x3FAA] =	sst s10  }
0x35: {  	s10 =	sld [smem:$0x3FA9];
	_ =	sdelay $0x3  }
0x36: {  	p1 =	seq.s32 s10, $0x1;
	s10 =	sld [smem:$0x3FAA];
	_ =	sdelay $0x3  }
0x37: {  	[smem:$0x3FAA] =	sst s10  }
0x38: {  	s10 =	sld [smem:$0x3FAB]  }
0x39: {  	_ = 	snop;
	(pc) =	sbr.ind lr, $3  }
0x3a: {  	_ = 	snop  }
0x3b: {  	_ = 	snop  }
0x3c: {  	p2 =	seq.s32 s10, $0x1;
	s10 =	sld [smem:$0x3FAA]  }
0x3d: {  	_ =	shalt  }
0x3e: {  	_ =	shalt  }
0x3f: {  	_ =	shalt  }
0x40: {  	_ =	shalt  }
0x41: {  	_ =	shalt  }
0x42: {  	_ =	shalt  }
0x43: {  	_ =	shalt  }
0x44: {  	_ =	shalt  }
0x45: {  	_ =	shalt  }
0x46: {  	_ =	shalt  }
0x47: {  	_ =	shalt  }
0x48: {  	_ =	shalt  }
0x49: {  	_ =	shalt  }
0x4a: {  	_ =	shalt  }
0x4b: {  	_ =	shalt  }
0x4c: {  	_ =	shalt  }
0x4d: {  	_ =	shalt  }
0x4e: {  	_ =	shalt  }
0x4f: {  	_ =	shalt  }
0x50: {  	_ =	shalt  }
0x51: {  	_ =	shalt  }
0x52: {  	_ =	shalt  }
0x53: {  	_ =	shalt  }
0x54: {  	_ =	shalt  }
0x55: {  	_ =	shalt  }
0x56: {  	_ =	shalt  }
0x57: {  	_ =	shalt  }
0x58: {  	_ =	shalt  }
0x59: {  	_ =	shalt  }
0x5a: {  	_ =	shalt  }
0x5b: {  	_ =	shalt  }
0x5c: {  	_ =	shalt  }
0x5d: {  	_ =	shalt  }
0x5e: {  	_ =	shalt  }
0x5f: {  	_ =	shalt  }
0x60: {  	_ =	shalt  }
0x61: {  	_ =	shalt  }
0x62: {  	_ =	shalt  }
0x63: {  	_ =	shalt  }
0x64: {  	_ =	shalt  }
0x65: {  	_ =	shalt  }
0x66: {  	_ =	shalt  }
0x67: {  	_ =	shalt  }
0x68: {  	_ =	shalt  }
0x69: {  	_ =	shalt  }
0x6a: {  	_ =	shalt  }
0x6b: {  	_ =	shalt  }
0x6c: {  	_ =	shalt  }
0x6d: {  	_ =	shalt  }
0x6e: {  	_ =	shalt  }
0x6f: {  	_ =	shalt  }
0x70: {  	_ =	shalt  }
0x71: {  	_ =	shalt  }
0x72: {  	_ =	shalt  }
0x73: {  	_ =	shalt  }
0x74: {  	_ =	shalt  }
0x75: {  	_ =	shalt  }
0x76: {  	_ =	shalt  }
0x77: {  	_ =	shalt  }
0x78: {  	_ =	shalt  }
0x79: {  	_ =	shalt  }
0x7a: {  	_ =	shalt  }
0x7b: {  	_ =	shalt  }
0x7c: {  	_ =	shalt  }
0x7d: {  	_ =	shalt  }
0x7e: {  	_ =	shalt  }
0x7f: {  	_ =	shalt  }
0x80: {  	_ =	shalt  }
0x81: {  	_ =	shalt  }
0x82: {  	_ =	shalt  }
0x83: {  	_ =	shalt  }
0x84: {  	_ =	shalt  }
0x85: {  	_ =	shalt  }
0x86: {  	_ =	shalt  }
0x87: {  	_ =	shalt  }
.Lfunc_end0:
.L_simem_size_0:
called_computation_lowered:
.L_overlay_start_0:
0x88: {  	s2 =	sld [smem:$0x3FD9]  }
0x89: {  	s3 =	sld [smem:$0x3FFE];
	_ =	sdelay $0x1  }
0x8a: {  	s1 =	srdreg.scid  }
0x8b: {  	s0 =	sand.u32 $0x1, s1  }
0x8c: {  	s17 =	sshll.u32 s0, $0xA;
	s2 =	sadd.s32 s3, s2  }
0x8d: {  	s2 =	sadd.s32 s2, s17  }
0x8e: {  	[smem:$0x3FB6] =	sst s2  }
0x8f: {  	_ = 	snop  }
0x90: {  	s2 =	sld [smem:$0x3FC6]  }
0x91: {  	s18 =	sld [smem:$0x3FC5]  }
0x92: {  	s4 =	sld [smem:$0x3FC4]  }
0x93: {  	s5 =	sld [smem:$0x3FC2]  }
0x94: {  	s6 =	sld [smem:$0x3FD0];
	(tm) =	ssettm $0x1  }
0x95: {  	s7 =	sld [smem:$0x3FFB];
	_ =	sdelay $0x3  }
0x96: {  	_ =	strace s7  }
0x97: {  	s7 =	sld [smem:$0x3FFC];
	_ =	sdelay $0x3  }
0x98: {  	_ =	strace s7  }
0x99: {  	s7 =	sld [smem:$0x3FFD];
	_ =	sdelay $0x3  }
0x9a: {  	_ =	strace s7  }
0x9b: {  	_ =	strace $0x8FFFFFFF  }
0x9c: {  	s19 =	sld [smem:$0x3FDB];
	_ =	sdelay $0x1  }
0x9d: {  	s8 =	simm.s32 $_scs_section_size  }
0x9e: {  	s9 =	simm.s32 $_size__tile_overlayer_lowered;
	s10 =	simm.s32 $_tile_overlayer_lowered  }
0x9f: {  	s22 =	simm.s32 $0x1BFF;
	s21 =	sshll.u32 s10, $0x1;
	s7 =	sadd.s32 s8, s19  }
0xa0: {  	s11 =	simm.s32 $0x0;
	s20 =	sshll.u32 s9, $0x1;
	s9 =	sadd.s32 s21, s7  }
0xa1: {  	[timem:s11], [sflag:s22] =	dma.local [hbm:s9], s20  }
0xa2: {  	_ =	swait.ge [sflag:s22], s20  }
0xa3: {  	s8 =	ssub.s32 $0x0, s20;
	[sflag:s22] =	ssyncset.done $0x0  }
0xa4: {  	[sflag:s22] =	ssyncadd.s32 s8;
	_ =	sdelay $0x1  }
0xa5: {  	s23 =	simm.s32 $0x1B8B  }
0xa6: {  	_ =	swait.ge [sflag:s23], $0x1  }
0xa7: {  	[sflag:s23] =	ssyncset.done $0x0  }
0xa8: {  	s25 =	simm.s32 $0x1B8E;
	s24 =	sld [smem:$0x3FFE];
	[sflag:s23] =	ssyncadd.s32 $0xFFFFFFFF  }
0xa9: {  	s26 =	simm.s32 $execute0_lowered;
	[smem:$0x3FD2] =	sst s25  }
0xaa: {  	s9 =	sshll.u32 s26, $0x1;
	_ =	strace $0x80000046;
	[dreg:$0x1] =	wrdreg $0xFFFFFFFF  }
0xab: {  	s28 =	simm.s32 $_size_execute0_lowered;
	s7 =	sadd.s32 s7, s9;
	[dreg:$0x0] =	wrdreg $0x0  }
0xac: {  	s9 =	sshll.u32 s28, $0x1;
	[dreg:$0x2] =	wrdreg s7  }
0xad: {  	[dreg:$0x3] =	wrdreg s9  }
0xae: {  	[dreg:$0x4] =	wrdreg $0xC0  }
0xaf: {  	_ =	task [dreg:s11], $0x5FFFF  }
0xb0: {  	[dreg:$0x1] =	wrdreg $0xFFFFFFFF  }
0xb1: {  	[dreg:$0x0] =	wrdreg $0x60  }
0xb2: {  	[dreg:$0x2] =	wrdreg s24  }
0xb3: {  	[dreg:$0x3] =	wrdreg s2  }
0xb4: {  	[dreg:$0x4] =	wrdreg s18  }
0xb5: {  	[dreg:$0x5] =	wrdreg s4  }
0xb6: {  	[dreg:$0x6] =	wrdreg s5  }
0xb7: {  	[dreg:$0x7] =	wrdreg s6  }
0xb8: {  	[dreg:$0x8] =	wrdreg $0x9  }
0xb9: {  	_ =	task.clear_ibuf [dreg:s11], $0x9FFFF;
	_ =	strace $0x90000046  }
0xba: {  	s29 =	simm.s32 $0x9;
	_ =	strace $0x80000048  }
0xbb: {  	_ =	swait.ge [sflag:s29], $0x1  }
0xbc: {  	[sflag:s29] =	ssyncadd.s32 $0xFFFFFFFF  }
0xbd: {  	_ =	strace $0x90000048  }
0xbe: {  	_ =	sfence  }
0xbf: {  	s30 =	sld [smem:$0x0];
	_ =	sdelay $0x2  }
0xc0: {  	s31 =	sshll.u32 s1, $0xD;
	s1 =	sshrl.u32 s1, $0x2  }
0xc1: {  	s3 =	sand.u32 $0x4000, s31;
	s1 =	sadd.s32 s1, s30  }
0xc2: {  	s0 =	sor.u32 s3, s0;
	s1 =	sshll.u32 s1, $0x11  }
0xc3: {  	s0 =	sor.u32 s1, s0  }
0xc4: {  	s0 =	sadd.s32 $0x8F2B, s0  }
0xc5: {  	[sflag:s0] =	ssyncadd.remote.s32 $0x1  }
0xc6: {  	_ =	sfence.sel $0xFFFF  }
0xc7: {  	[dreg:$0x0] =	wrdreg $0xFFFFFFFF;
	(pc) =	sbr.abs _section_cstart, $3  }
0xc8: {  	[dreg:$0x1] =	wrdreg $0xFFFFFFFF  }
0xc9: {  	_ =	task.clear_ibuf [dreg:s11], $0x2FFFF;
	_ =	strace $0x9FFFFFFF  }
0xca: {  	(tm) =	ssettm $0x7FFFFFFF  }
0xcb: {  	_ =	shalt  }
tec
execute0_lowered:
.L_overlay_start_1:
0x0: {  	(tag) =	ssettag $0x1  }
0x1: {  	s1 =	rddreg [dreg:$0x0]  }
0x2: {  	s0 =	rddreg [dreg:$0x1]  }
0x3: {  	s25 =	rddreg [dreg:$0x2]  }
0x4: {  	s3 =	rddreg [dreg:$0x3]  }
0x5: {  	s4 =	rddreg [dreg:$0x4]  }
0x6: {  	s6 =	rddreg [dreg:$0x5]  }
0x7: {  	s2 =	srdreg.scid;
	[dreg:$0x7] =	wrdreg s0  }
0x8: {  	[dreg:$0x8] =	wrdreg s25;
	s5 =	sand.u32 $0x1, s2;
	s2 =	simm.s32 $0x0  }
0x9: {  	s12 =	simm.s32 $0x900;
	[smem:$0x7FF] =	sst s2  }
0xa: {  	s13 =	simm.s32 $0x1100;
	_ =	strace $0x80000047;
	[dreg:$0xf] =	wrdreg s12  }
0xb: {  	s14 =	simm.s32 $0x1900;
	[dreg:$0x10] =	wrdreg s13  }
0xc: {  	s15 =	simm.s32 $0x2100;
	[dreg:$0x11] =	wrdreg s14  }
0xd: {  	s26 =	stileid.u32;
	s16 =	simm.s32 $0x2900;
	[dreg:$0x12] =	wrdreg s15  }
0xe: {  	s17 =	simm.s32 $0x3100;
	s18 =	simm.s32 $0x3900;
	[dreg:$0x13] =	wrdreg s16  }
0xf: {  	s19 =	simm.s32 $0x4100;
	s21 =	simm.s32 $0x4900;
	[dreg:$0x14] =	wrdreg s17  }
0x10: {  	s22 =	simm.s32 $0x5100;
	s23 =	simm.s32 $0x5900;
	[dreg:$0x15] =	wrdreg s18  }
0x11: {  	s24 =	simm.s32 $0x6100;
	s28 =	simm.s32 $0xF900;
	[dreg:$0x16] =	wrdreg s19  }
0x12: {  	s29 =	simm.s32 $0x40;
	s30 =	simm.s32 $0x10100;
	[dreg:$0x17] =	wrdreg s21  }
0x13: {  	s31 =	simm.s32 $0x10180;
	s7 =	sshll.u32 s26, $0x7;
	[dreg:$0x18] =	wrdreg s22  }
0x14: {  	s25 =	simm.s32 $0x6900;
	s26 =	simm.s32 $0x7100;
	[dreg:$0x19] =	wrdreg s23  }
0x15: {  	s8 =	sshll.u32 s5, $0x6;
	s5 =	ssub.s32 $0x2, s5;
	[dreg:$0x1a] =	wrdreg s24  }
0x16: {  	s7 =	sor.u32 s8, s7;
	s20 =	sshrl.u32 s5, $0x1;
	[dreg:$0x1b] =	wrdreg s25  }
0x17: {  	[dreg:$0x1c] =	wrdreg s26;
	s12 =	simm.s32 $0x8100;
	s13 =	simm.s32 $0x8900  }
0x18: {  	s14 =	simm.s32 $0x9100;
	s15 =	simm.s32 $0x9900;
	s16 =	simm.s32 $0xA100  }
0x19: {  	s17 =	simm.s32 $0xA900;
	s18 =	simm.s32 $0xB100;
	s19 =	simm.s32 $0xB900  }
0x1a: {  	s21 =	simm.s32 $0xC900;
	s22 =	simm.s32 $0xD100;
	s23 =	simm.s32 $0xD900  }
0x1b: {  	s24 =	simm.s32 $0xE100;
	s25 =	simm.s32 $0xE900;
	s8 =	sshrl.u32 s7, $0x3  }
0x1c: {  	s26 =	simm.s32 $0xF100;
	s7 =	sshll.u32 s7, $0x6;
	s3 =	sadd.s32 s3, s8  }
0x1d: {  	s7 =	sadd.s32 s7, s1;
	s0 =	sadd.s32 s4, s8;
	[dreg:$0x9] =	wrdreg s3  }
0x1e: {  	s9 =	sadd.s32 s8, s1;
	s10 =	sadd.s32 s6, s8;
	[dreg:$0xa] =	wrdreg s0  }
0x1f: {  	s6 =	sadd.s32 $0x13300, s1;
	s4 =	sadd.s32 $0x23200, s7;
	[dreg:$0xd] =	wrdreg s10  }
0x20: {  	s8 =	simm.s32 $0x2;
	s7 =	sadd.s32 $0x43200, s7;
	[dreg:$0xb] =	wrdreg s4  }
0x21: {  	s11 =	sadd.s32 $0x63200, s9;
	s3 =	sadd.s32 $0x3200, s1;
	[dreg:$0xc] =	wrdreg s7  }
0x22: {  	v2 =	vlaneseq.u32;
	s9 =	simm.s32 $0x80;
	s10 =	simm.s32 $0x100;
	[dreg:$0xe] =	wrdreg s11  }
0x23: {  	vm0 =	vmmov $0xffff;
	v1 =	vshrl.u32 v2, $0x3;
	s4 =	sadd.s32 $0x13200, s1;
	s7 =	ssub.s32 s5, s20;
	s5 =	sadd.s32 $0x3300, s1  }
0x24: {  	v0 =	vand.u32 $0x7, v2;
	v2 =	vor.u32 $0x8, v2;
	v1 =	vmul.u32 $0x8, v1;
	s20 =	simm.s32 $0xC100;
	s1 =	simm.s32 $0x1;
	s7 =	smax.u32 s7, $0x1  }
.LBB2_1:
0x25: {  	s0 =	rddreg [dreg:$0x9]  }
0x26: {  	[tilespmem:s2], [sflag:$0x2] =	stream.linear.gather [hbm4b:s0+s2], $0x40, $0x38;
	[tilespmem:$0x10200] =	vst v63  }
0x27: {  	_ =	swait.ge [sflag:s8], $0x40  }
0x28: {  	[sflag:s8] =	ssyncset.done $0x0  }
0x29: {  	s11 =	rddreg [dreg:$0xa];
	[sflag:s8] =	ssyncadd.s32 $0xFFFFFFC0  }
0x2a: {  	[tilespmem:s9], [sflag:$0x2] =	stream.linear.gather [hbm4b:s11+s2], $0x40, $0x38;
	[tilespmem:$0x10200] =	vst v63  }
0x2b: {  	_ =	swait.ge [sflag:s8], $0x40  }
0x2c: {  	[sflag:s8] =	ssyncset.done $0x0  }
0x2d: {  	[sflag:s8] =	ssyncadd.s32 $0xFFFFFFC0  }
0x2e: {  	v3 =	vld [tilespmem:$0x0];
	_ =	sdelay $0x4  }
0x2f: {  	v4 =	vshll.u32 v3, $0x2  }
0x30: {  	v3 =	vand.u32 $0x7, v3;
	v4 =	vand.u32 $0xFFFFFFE0, v4  }
0x31: {  	v3 =	vor.u32 v3, v4  }
0x32: {  	v4 =	vperm.xlane v3, v0;
	_ =	sdelay $0x1  }
0x33: {  	v4 =	vadd.s32 v1, v4;
	_ =	sdelay $0x1  }
0x34: {  	v3 =	vperm.xlane v3, v2;
	_ =	sdelay $0x1  }
0x35: {  	v3 =	vadd.s32 v1, v3  }
0x36: {  	[tilespmem:s10], [sflag:$0x1] =	stream.indirect_vreg.gather [hbm4b:s3+s2], $0x80, v4, vm0, $0xb8;
	[tilespmem:$0x10200] =	vst v63  }
0x37: {  	s0 =	rddreg [dreg:$0xf]  }
0x38: {  	[tilespmem:s0], [sflag:$0x1] =	stream.indirect_vreg.gather [hbm4b:s5+s2], $0x80, v4, vm0, $0xb8;
	[tilespmem:$0x10200] =	vst v63  }
0x39: {  	s11 =	rddreg [dreg:$0x10]  }
0x3a: {  	[tilespmem:s11], [sflag:$0x1] =	stream.indirect_vreg.gather [hbm4b:s3+s2], $0x80, v3, vm0, $0xb8;
	[tilespmem:$0x10200] =	vst v63  }
0x3b: {  	s0 =	rddreg [dreg:$0x11]  }
0x3c: {  	[tilespmem:s0], [sflag:$0x1] =	stream.indirect_vreg.gather [hbm4b:s5+s2], $0x80, v3, vm0, $0xb8;
	[tilespmem:$0x10200] =	vst v63  }
0x3d: {  	v3 =	vld [tilespmem:$0x10];
	_ =	sdelay $0x4  }
0x3e: {  	v57 =	vshll.u32 v3, $0x2  }
0x3f: {  	v3 =	vand.u32 $0x7, v3;
	v4 =	vand.u32 $0xFFFFFFE0, v57  }
0x40: {  	v3 =	vor.u32 v3, v4  }
0x41: {  	v4 =	vperm.xlane v3, v0;
	_ =	sdelay $0x1  }
0x42: {  	v4 =	vadd.s32 v1, v4;
	_ =	sdelay $0x1  }
0x43: {  	v3 =	vperm.xlane v3, v2;
	_ =	sdelay $0x1  }
0x44: {  	s0 =	rddreg [dreg:$0x12];
	v3 =	vadd.s32 v1, v3  }
0x45: {  	[tilespmem:s0], [sflag:$0x1] =	stream.indirect_vreg.gather [hbm4b:s3+s2], $0x80, v4, vm0, $0xb8;
	[tilespmem:$0x10200] =	vst v63  }
0x46: {  	s11 =	rddreg [dreg:$0x13]  }
0x47: {  	[tilespmem:s11], [sflag:$0x1] =	stream.indirect_vreg.gather [hbm4b:s5+s2], $0x80, v4, vm0, $0xb8;
	[tilespmem:$0x10200] =	vst v63  }
0x48: {  	s0 =	rddreg [dreg:$0x14]  }
0x49: {  	[tilespmem:s0], [sflag:$0x1] =	stream.indirect_vreg.gather [hbm4b:s3+s2], $0x80, v3, vm0, $0xb8;
	[tilespmem:$0x10200] =	vst v63  }
0x4a: {  	s11 =	rddreg [dreg:$0x15]  }
0x4b: {  	[tilespmem:s11], [sflag:$0x1] =	stream.indirect_vreg.gather [hbm4b:s5+s2], $0x80, v3, vm0, $0xb8;
	[tilespmem:$0x10200] =	vst v63  }
0x4c: {  	v3 =	vld [tilespmem:$0x20];
	_ =	sdelay $0x4  }
0x4d: {  	v58 =	vshll.u32 v3, $0x2  }
0x4e: {  	v3 =	vand.u32 $0x7, v3;
	v4 =	vand.u32 $0xFFFFFFE0, v58  }
0x4f: {  	v3 =	vor.u32 v3, v4  }
0x50: {  	v4 =	vperm.xlane v3, v0;
	_ =	sdelay $0x1  }
0x51: {  	v4 =	vadd.s32 v1, v4;
	_ =	sdelay $0x1  }
0x52: {  	v3 =	vperm.xlane v3, v2;
	_ =	sdelay $0x1  }
0x53: {  	s0 =	rddreg [dreg:$0x16];
	v3 =	vadd.s32 v1, v3  }
0x54: {  	[tilespmem:s0], [sflag:$0x1] =	stream.indirect_vreg.gather [hbm4b:s3+s2], $0x80, v4, vm0, $0xb8;
	[tilespmem:$0x10200] =	vst v63  }
0x55: {  	s11 =	rddreg [dreg:$0x17]  }
0x56: {  	[tilespmem:s11], [sflag:$0x1] =	stream.indirect_vreg.gather [hbm4b:s5+s2], $0x80, v4, vm0, $0xb8;
	[tilespmem:$0x10200] =	vst v63  }
0x57: {  	s0 =	rddreg [dreg:$0x18]  }
0x58: {  	[tilespmem:s0], [sflag:$0x1] =	stream.indirect_vreg.gather [hbm4b:s3+s2], $0x80, v3, vm0, $0xb8;
	[tilespmem:$0x10200] =	vst v63  }
0x59: {  	s11 =	rddreg [dreg:$0x19]  }
0x5a: {  	[tilespmem:s11], [sflag:$0x1] =	stream.indirect_vreg.gather [hbm4b:s5+s2], $0x80, v3, vm0, $0xb8;
	[tilespmem:$0x10200] =	vst v63  }
0x5b: {  	v3 =	vld [tilespmem:$0x30];
	_ =	sdelay $0x4  }
0x5c: {  	v59 =	vshll.u32 v3, $0x2  }
0x5d: {  	v3 =	vand.u32 $0x7, v3;
	v4 =	vand.u32 $0xFFFFFFE0, v59  }
0x5e: {  	v3 =	vor.u32 v3, v4  }
0x5f: {  	v4 =	vperm.xlane v3, v0;
	_ =	sdelay $0x1  }
0x60: {  	v4 =	vadd.s32 v1, v4;
	_ =	sdelay $0x1  }
0x61: {  	v3 =	vperm.xlane v3, v2;
	_ =	sdelay $0x1  }
0x62: {  	s0 =	rddreg [dreg:$0x1a];
	v3 =	vadd.s32 v1, v3  }
0x63: {  	[tilespmem:s0], [sflag:$0x1] =	stream.indirect_vreg.gather [hbm4b:s3+s2], $0x80, v4, vm0, $0xb8;
	[tilespmem:$0x10200] =	vst v63  }
0x64: {  	s11 =	rddreg [dreg:$0x1b]  }
0x65: {  	[tilespmem:s11], [sflag:$0x1] =	stream.indirect_vreg.gather [hbm4b:s5+s2], $0x80, v4, vm0, $0xb8;
	[tilespmem:$0x10200] =	vst v63  }
0x66: {  	s0 =	rddreg [dreg:$0x1c]  }
0x67: {  	[tilespmem:s0], [sflag:$0x1] =	stream.indirect_vreg.gather [hbm4b:s3+s2], $0x80, v3, vm0, $0xb8;
	[tilespmem:$0x10200] =	vst v63  }
0x68: {  	s11 =	simm.s32 $0x7900  }
0x69: {  	[tilespmem:s11], [sflag:$0x1] =	stream.indirect_vreg.gather [hbm4b:s5+s2], $0x80, v3, vm0, $0xb8;
	[tilespmem:$0x10200] =	vst v63  }
0x6a: {  	v3 =	vld [tilespmem:$0x0];
	_ =	sdelay $0x4  }
0x6b: {  	v60 =	vshll.u32 v3, $0x2  }
0x6c: {  	v3 =	vand.u32 $0x7, v3;
	v4 =	vand.u32 $0xFFFFFFE0, v60  }
0x6d: {  	v3 =	vor.u32 v3, v4  }
0x6e: {  	v4 =	vperm.xlane v3, v0;
	_ =	sdelay $0x1  }
0x6f: {  	v4 =	vadd.s32 v1, v4;
	_ =	sdelay $0x1  }
0x70: {  	v3 =	vperm.xlane v3, v2;
	_ =	sdelay $0x1  }
0x71: {  	v3 =	vadd.s32 v1, v3  }
0x72: {  	[tilespmem:s12], [sflag:$0x1] =	stream.indirect_vreg.gather [hbm4b:s4+s2], $0x80, v4, vm0, $0xb8;
	[tilespmem:$0x10200] =	vst v63  }
0x73: {  	_ = 	snop  }
0x74: {  	[tilespmem:s13], [sflag:$0x1] =	stream.indirect_vreg.gather [hbm4b:s6+s2], $0x80, v4, vm0, $0xb8;
	[tilespmem:$0x10200] =	vst v63  }
0x75: {  	_ = 	snop  }
0x76: {  	[tilespmem:s14], [sflag:$0x1] =	stream.indirect_vreg.gather [hbm4b:s4+s2], $0x80, v3, vm0, $0xb8;
	[tilespmem:$0x10200] =	vst v63  }
0x77: {  	_ = 	snop  }
0x78: {  	[tilespmem:s15], [sflag:$0x1] =	stream.indirect_vreg.gather [hbm4b:s6+s2], $0x80, v3, vm0, $0xb8;
	[tilespmem:$0x10200] =	vst v63  }
0x79: {  	v3 =	vld [tilespmem:$0x10];
	_ =	sdelay $0x4  }
0x7a: {  	v61 =	vshll.u32 v3, $0x2  }
0x7b: {  	v3 =	vand.u32 $0x7, v3;
	v4 =	vand.u32 $0xFFFFFFE0, v61  }
0x7c: {  	v3 =	vor.u32 v3, v4  }
0x7d: {  	v4 =	vperm.xlane v3, v0;
	_ =	sdelay $0x1  }
0x7e: {  	v4 =	vadd.s32 v1, v4;
	_ =	sdelay $0x1  }
0x7f: {  	v3 =	vperm.xlane v3, v2;
	_ =	sdelay $0x1  }
0x80: {  	v3 =	vadd.s32 v1, v3  }
0x81: {  	[tilespmem:s16], [sflag:$0x1] =	stream.indirect_vreg.gather [hbm4b:s4+s2], $0x80, v4, vm0, $0xb8;
	[tilespmem:$0x10200] =	vst v63  }
0x82: {  	_ = 	snop  }
0x83: {  	[tilespmem:s17], [sflag:$0x1] =	stream.indirect_vreg.gather [hbm4b:s6+s2], $0x80, v4, vm0, $0xb8;
	[tilespmem:$0x10200] =	vst v63  }
0x84: {  	_ = 	snop  }
0x85: {  	[tilespmem:s18], [sflag:$0x1] =	stream.indirect_vreg.gather [hbm4b:s4+s2], $0x80, v3, vm0, $0xb8;
	[tilespmem:$0x10200] =	vst v63  }
0x86: {  	_ = 	snop  }
0x87: {  	[tilespmem:s19], [sflag:$0x1] =	stream.indirect_vreg.gather [hbm4b:s6+s2], $0x80, v3, vm0, $0xb8;
	[tilespmem:$0x10200] =	vst v63  }
0x88: {  	v3 =	vld [tilespmem:$0x20];
	_ =	sdelay $0x4  }
0x89: {  	v62 =	vshll.u32 v3, $0x2  }
0x8a: {  	v3 =	vand.u32 $0x7, v3;
	v4 =	vand.u32 $0xFFFFFFE0, v62  }
0x8b: {  	v3 =	vor.u32 v3, v4  }
0x8c: {  	v4 =	vperm.xlane v3, v0;
	_ =	sdelay $0x1  }
0x8d: {  	v4 =	vadd.s32 v1, v4;
	_ =	sdelay $0x1  }
0x8e: {  	v3 =	vperm.xlane v3, v2;
	_ =	sdelay $0x1  }
0x8f: {  	v3 =	vadd.s32 v1, v3  }
0x90: {  	[tilespmem:s20], [sflag:$0x1] =	stream.indirect_vreg.gather [hbm4b:s4+s2], $0x80, v4, vm0, $0xb8;
	[tilespmem:$0x10200] =	vst v63  }
0x91: {  	_ = 	snop  }
0x92: {  	[tilespmem:s21], [sflag:$0x1] =	stream.indirect_vreg.gather [hbm4b:s6+s2], $0x80, v4, vm0, $0xb8;
	[tilespmem:$0x10200] =	vst v63  }
0x93: {  	_ = 	snop  }
0x94: {  	[tilespmem:s22], [sflag:$0x1] =	stream.indirect_vreg.gather [hbm4b:s4+s2], $0x80, v3, vm0, $0xb8;
	[tilespmem:$0x10200] =	vst v63  }
0x95: {  	_ = 	snop  }
0x96: {  	[tilespmem:s23], [sflag:$0x1] =	stream.indirect_vreg.gather [hbm4b:s6+s2], $0x80, v3, vm0, $0xb8;
	[tilespmem:$0x10200] =	vst v63  }
0x97: {  	v3 =	vld [tilespmem:$0x30];
	_ =	sdelay $0x4  }
0x98: {  	v63 =	vshll.u32 v3, $0x2  }
0x99: {  	v3 =	vand.u32 $0x7, v3;
	v4 =	vand.u32 $0xFFFFFFE0, v63  }
0x9a: {  	v3 =	vor.u32 v3, v4  }
0x9b: {  	v4 =	vperm.xlane v3, v0;
	_ =	sdelay $0x1  }
0x9c: {  	v4 =	vadd.s32 v1, v4;
	_ =	sdelay $0x1  }
0x9d: {  	v3 =	vperm.xlane v3, v2;
	_ =	sdelay $0x1  }
0x9e: {  	v3 =	vadd.s32 v1, v3  }
0x9f: {  	[tilespmem:s24], [sflag:$0x1] =	stream.indirect_vreg.gather [hbm4b:s4+s2], $0x80, v4, vm0, $0xb8;
	[tilespmem:$0x10200] =	vst v63  }
0xa0: {  	_ = 	snop  }
0xa1: {  	[tilespmem:s25], [sflag:$0x1] =	stream.indirect_vreg.gather [hbm4b:s6+s2], $0x80, v4, vm0, $0xb8;
	[tilespmem:$0x10200] =	vst v63  }
0xa2: {  	_ = 	snop  }
0xa3: {  	[tilespmem:s26], [sflag:$0x1] =	stream.indirect_vreg.gather [hbm4b:s4+s2], $0x80, v3, vm0, $0xb8;
	[tilespmem:$0x10200] =	vst v63  }
0xa4: {  	_ = 	snop  }
0xa5: {  	[tilespmem:s28], [sflag:$0x1] =	stream.indirect_vreg.gather [hbm4b:s6+s2], $0x80, v3, vm0, $0xb8;
	[tilespmem:$0x10200] =	vst v63  }
0xa6: {  	s0 =	rddreg [dreg:$0x7]  }
0xa7: {  	[tilespmem:s30], [sflag:$0x1] =	stream.indirect.gather [hbm4b:s0+s29], $0x1, s9, s29, $0xb8;
	[tilespmem:$0x10200] =	vst v63  }
0xa8: {  	s11 =	rddreg [dreg:$0x8]  }
0xa9: {  	[tilespmem:s31], [sflag:$0x1] =	stream.indirect.gather [hbm4b:s11+s29], $0x1, s9, s29, $0xb8;
	[tilespmem:$0x10200] =	vst v63  }
0xaa: {  	_ =	swait.ge [sflag:s1], $0x8000  }
0xab: {  	[sflag:s1] =	ssyncset.done $0x0  }
0xac: {  	[sflag:s1] =	ssyncadd.s32 $0xFFFF8000  }
0xad: {  	_ =	swait.ge [sflag:s1], $0x8000  }
0xae: {  	[sflag:s1] =	ssyncset.done $0x0  }
0xaf: {  	[sflag:s1] =	ssyncadd.s32 $0xFFFF8000  }
0xb0: {  	_ =	swait.ge [sflag:s1], $0x40  }
0xb1: {  	[sflag:s1] =	ssyncset.done $0x0  }
0xb2: {  	[sflag:s1] =	ssyncadd.s32 $0xFFFFFFC0  }
0xb3: {  	_ =	swait.ge [sflag:s1], $0x40  }
0xb4: {  	[sflag:s1] =	ssyncset.done $0x0  }
0xb5: {  	s11 =	rddreg [dreg:$0xb];
	[sflag:s1] =	ssyncadd.s32 $0xFFFFFFC0  }
0xb6: {  	[hbm4b:s11+s2] =	stream.linear.scatter [tilespmem:s10], [sflag:$0x2], $0x8000, $0x38;
	[tilespmem:$0x10200] =	vst v63  }
0xb7: {  	_ =	swait.ge [sflag:s8], $0x8000  }
0xb8: {  	[sflag:s8] =	ssyncset.done $0x0  }
0xb9: {  	s11 =	rddreg [dreg:$0xc];
	[sflag:s8] =	ssyncadd.s32 $0xFFFF8000  }
0xba: {  	[hbm4b:s11+s2] =	stream.linear.scatter [tilespmem:s12], [sflag:$0x2], $0x8000, $0x38;
	[tilespmem:$0x10200] =	vst v63  }
0xbb: {  	_ =	swait.ge [sflag:s8], $0x8000  }
0xbc: {  	[sflag:s8] =	ssyncset.done $0x0  }
0xbd: {  	s11 =	rddreg [dreg:$0xd];
	[sflag:s8] =	ssyncadd.s32 $0xFFFF8000  }
0xbe: {  	[hbm4b:s11+s2] =	stream.linear.scatter [tilespmem:s30], [sflag:$0x2], $0x40, $0x38;
	[tilespmem:$0x10200] =	vst v63  }
0xbf: {  	_ =	swait.ge [sflag:s8], $0x40  }
0xc0: {  	p0 =	sne.s32 s7, $0x1;
	[sflag:s8] =	ssyncset.done $0x0  }
.Ltmp0:
0xc1: {  	s11 =	rddreg [dreg:$0xe];
	[sflag:s8] =	ssyncadd.s32 $0xFFFFFFC0;
	(pc) =	sbr.rel @p0 .LBB2_1-.Ltmp0, $4  }
0xc2: {  	[hbm4b:s11+s2] =	stream.linear.scatter [tilespmem:s31], [sflag:$0x2], $0x40, $0x38;
	[tilespmem:$0x10200] =	vst v63  }
0xc3: {  	_ =	swait.ge [sflag:s8], $0x40  }
0xc4: {  	[sflag:s8] =	ssyncset.done $0x0  }
0xc5: {  	s7 =	sadd.s32 $0xFFFFFFFF, s7;
	[sflag:s8] =	ssyncadd.s32 $0xFFFFFFC0  }
0xc6: {  	_ =	sfence.sel $0x180000  }
0xc7: {  	[bflag:$0x0] =	sbarrier.arrive $0xFFFF  }
0xc8: {  	_ =	strace $0x90000047  }
0xc9: {  	s0 =	stileid.u32;
	[bflag:$0x2] =	sbarrier.arrive $0xFFFF  }
0xca: {  	p0 =	sne.s32 s0, $0x0;
	s0 =	rddreg [dreg:$0x6]  }
0xcb: {  	s0 =	sadd.s32 @!p0 $0x100000, s0  }
0xcc: {  	[sflag:s0] =	ssyncadd.tile.s32 @!p0 $0x1;
	_ =	shalt  }
.Lfunc_end2:
_tile_overlayer_lowered:
.L_overlay_start_2:
0xcd: {  	(tag) =	ssettag $0x2  }
0xce: {  	s0 =	rddreg [dreg:$0x0];
	s2 =	stileid.u32  }
0xcf: {  	s1 =	rddreg [dreg:$0x1];
	p0 =	sne.s32 s2, $0x0  }
0xd0: {  	s3 =	rddreg [dreg:$0x2];
	[bflag:$0x3] =	sbarrier.arrive $0xFFFF;
	s2 =	simm.s32 @!p0 $0x1C02  }
0xd1: {  	[timem:s3], [sflag:s2] =	dma.local @!p0 [hbm:s0], s1  }
0xd2: {  	s0 =	simm.s32 @!p0 $0x2  }
0xd3: {  	_ =	swait.ge @!p0 [sflag:s0], s1  }
0xd4: {  	s1 =	ssub.s32 @!p0 $0x0, s1;
	[sflag:s0] =	ssyncset.done @!p0 $0x0  }
0xd5: {  	[sflag:s0] =	ssyncadd.s32 @!p0 s1  }
0xd6: {  	[bflag:$0x3] =	sbarrier.arrive $0xFFFF  }
0xd7: {  	_ =	shalt  }

</sc_bundles>
